<compile_context>
chip_gen: v7x
topology: tpu7x:2x2x1
jax: 0.10.2.dev20260603
libtpu: 0.0.44.dev20260713+nightly
codegen_flags: <defaults>
</compile_context>

<pallas_src>
import functools

import jax
import jax.numpy as jnp
from jax import lax
from jax.experimental import pallas as pl
from jax.experimental.pallas import tpu as pltpu
from jax.experimental.pallas import tpu_sc as plsc

B, N, C, H = 2, 4096, 768, 12
DH = C // H
K_SEL = 409
K_PAD = 416
NB = 8
BN = N // NB
ONE_BITS = 0x3F800000



def _topk_body(row_ref, idx_ref):
    b = pl.program_id(0)
    row = row_ref[0]
    bits = jax.lax.bitcast_convert_type(row, jnp.int32)
    pos = jax.lax.broadcasted_iota(jnp.int32, (1, N), 1)
    bits = jnp.where(pos == 0, -1, bits)

    def bisect(_, carry):
        lo, hi = carry
        mid = (lo + hi) // 2
        cnt = jnp.sum((bits > mid).astype(jnp.int32))
        big = cnt >= K_SEL
        return jnp.where(big, mid, lo), jnp.where(big, hi, mid)

    lo, hi = lax.fori_loop(0, 31, bisect, (jnp.int32(-1), jnp.int32(ONE_BITS)))
    thr = hi

    gt = (bits > thr).astype(jnp.int32)
    eq = (bits == thr).astype(jnp.int32)
    n_gt = jnp.sum(gt)

    def cumsum_lanes(v):
        acc = v
        for s in (1, 2, 4, 8, 16, 32, 64, 128, 256, 512, 1024, 2048):
            shifted = jnp.concatenate(
                [jnp.zeros((1, s), jnp.int32), acc[:, : N - s]], axis=1)
            acc = acc + shifted
        return acc

    cgt = cumsum_lanes(gt)
    ceq = cumsum_lanes(eq)
    rank = jnp.where(gt == 1, cgt - 1,
                     jnp.where(eq == 1, n_gt + ceq - 1, jnp.int32(N)))

    jcol = jax.lax.broadcasted_iota(jnp.int32, (K_PAD, 1), 0)
    onehot = rank == jcol
    idx_j = jnp.sum(jnp.where(onehot, pos, 0), axis=1)
    idx0 = jnp.sum(jnp.where(rank == 0, pos, 0))
    jvec = jax.lax.iota(jnp.int32, K_PAD)
    idx_flat = jnp.where(jvec < K_SEL, idx_j, idx0) + b * N
    idx_ref[...] = idx_flat.reshape(1, 1, K_PAD)


def _topk_indices(row0):
    return pl.pallas_call(
        _topk_body,
        grid=(B,),
        in_specs=[pl.BlockSpec((1, 1, N), lambda b: (b, 0, 0))],
        out_specs=pl.BlockSpec((1, 1, K_PAD), lambda b: (b, 0, 0)),
        out_shape=jax.ShapeDtypeStruct((B, 1, K_PAD), jnp.int32),
    )(row0)



_ROWS_PER_W = 32
_N_GATHER_W = (B * K_PAD) // _ROWS_PER_W


@functools.cache
def _sc_gather():
    mesh = plsc.VectorSubcoreMesh(core_axis_name="c", subcore_axis_name="s")

    @functools.partial(
        pl.kernel,
        out_type=jax.ShapeDtypeStruct((B * K_PAD, C), jnp.float32),
        mesh=mesh,
        scratch_types=[
            pltpu.VMEM((_ROWS_PER_W,), jnp.int32),
            pltpu.VMEM((_ROWS_PER_W, C), jnp.float32),
            pltpu.SemaphoreType.DMA,
        ],
    )
    def gather(x_hbm, idx_hbm, out_hbm, idx_v, rows_v, sem):
        wid = lax.axis_index("s") * 2 + lax.axis_index("c")

        @pl.when(wid < _N_GATHER_W)
        def _():
            base = wid * _ROWS_PER_W
            pltpu.sync_copy(idx_hbm.at[pl.ds(base, _ROWS_PER_W)], idx_v)
            pltpu.async_copy(x_hbm.at[idx_v], rows_v, sem).wait()
            pltpu.sync_copy(rows_v, out_hbm.at[pl.ds(base, _ROWS_PER_W)])

    return gather



def _kvproj_body(x_ref, wkvt_ref, bkv_ref, kv_ref, xcopy_ref):
    xb32 = x_ref[0]
    xcopy_ref[0] = xb32
    xb = xb32.astype(jnp.bfloat16)
    kv = lax.dot_general(xb, wkvt_ref[...], (((1,), (1,)), ((), ())),
                         preferred_element_type=jnp.float32) + bkv_ref[...]
    kvb = kv.astype(jnp.bfloat16)
    for g in range(2 * H):
        kv_ref[0, g] = kvb[:, g * DH:(g + 1) * DH]


def _kvproj(x, wkvt_b, bkv2):
    return pl.pallas_call(
        _kvproj_body,
        grid=(B, NB),
        in_specs=[
            pl.BlockSpec((1, BN, C), lambda b, n: (b, n, 0)),
            pl.BlockSpec((2 * C, C), lambda b, n: (0, 0)),
            pl.BlockSpec((1, 2 * C), lambda b, n: (0, 0)),
        ],
        out_specs=[
            pl.BlockSpec((1, 2 * H, BN, DH), lambda b, n: (b, 0, n, 0)),
            pl.BlockSpec((1, BN, C), lambda b, n: (b, n, 0)),
        ],
        out_shape=[
            jax.ShapeDtypeStruct((B, 2 * H, N, DH), jnp.bfloat16),
            jax.ShapeDtypeStruct((B, N, C), jnp.float32),
        ],
        compiler_params=pltpu.CompilerParams(
            dimension_semantics=("arbitrary", "arbitrary"),
        ),
    )(x, wkvt_b, bkv2)


def _head_body(selx_ref, wqt_ref, bq_ref, k_ref, v_ref, wpt_ref, bp_ref,
               idx_ref, xcopy_ref, out_ref, acc_s, sem):
    g = pl.program_id(1)
    scale = DH ** -0.5
    parts = []
    for hh in range(2):
        qh = (lax.dot_general(selx_ref[0], wqt_ref[hh * DH:(hh + 1) * DH, :],
                              (((1,), (1,)), ((), ())),
                              preferred_element_type=jnp.float32)
              + bq_ref[hh]).astype(jnp.bfloat16)
        kh = k_ref[0, hh]
        vh = v_ref[0, hh]
        s = lax.dot_general(qh, kh, (((1,), (1,)), ((), ())),
                            preferred_element_type=jnp.float32) * scale
        m = jnp.max(s, axis=1, keepdims=True)
        p = jnp.exp(s - m)
        l = jnp.sum(p, axis=1, keepdims=True)
        o = jnp.dot(p.astype(jnp.bfloat16), vh,
                    preferred_element_type=jnp.float32) / l
        parts.append(lax.dot_general(
            o.astype(jnp.bfloat16), wpt_ref[:, hh * DH:(hh + 1) * DH],
            (((1,), (1,)), ((), ())),
            preferred_element_type=jnp.float32))
    partial = parts[0] + parts[1]

    @pl.when(g == 0)
    def _first():
        acc_s[...] = partial + bp_ref[0]

    @pl.when(g != 0)
    def _rest():
        acc_s[...] += partial

    @pl.when(g == H // 2 - 1)
    def _scatter_rows():
        def issue(j, _):
            i = idx_ref[0, 0, j]
            pltpu.make_async_copy(acc_s.at[pl.ds(j, 1)],
                                  out_ref.at[pl.ds(i, 1)], sem).start()
            return 0

        def drain(j, _):
            pltpu.make_async_copy(acc_s.at[pl.ds(j, 1)],
                                  out_ref.at[pl.ds(0, 1)], sem).wait()
            return 0

        lax.fori_loop(0, K_SEL, issue, 0)
        lax.fori_loop(0, K_SEL, drain, 0)


def _head_attention(selxb, kv, wqt_b, bq2, wpt_b, bp2, idx3, xcopy2d):
    return pl.pallas_call(
        _head_body,
        grid=(B, H // 2),
        in_specs=[
            pl.BlockSpec((1, K_PAD, C), lambda b, g: (b, 0, 0)),
            pl.BlockSpec((2 * DH, C), lambda b, g: (g, 0)),
            pl.BlockSpec((2, 1, DH), lambda b, g: (g, 0, 0)),
            pl.BlockSpec((1, 2, N, DH), lambda b, g: (b, g, 0, 0)),
            pl.BlockSpec((1, 2, N, DH), lambda b, g: (b, H // 2 + g, 0, 0)),
            pl.BlockSpec((C, 2 * DH), lambda b, g: (0, g)),
            pl.BlockSpec((1, 1, C), lambda b, g: (0, 0, 0)),
            pl.BlockSpec((1, 1, K_PAD), lambda b, g: (b, 0, 0),
                         memory_space=pltpu.SMEM),
            pl.BlockSpec(memory_space=pl.ANY),
        ],
        out_specs=pl.BlockSpec(memory_space=pl.ANY),
        out_shape=jax.ShapeDtypeStruct((B * N, C), jnp.float32),
        scratch_shapes=[
            pltpu.VMEM((K_PAD, C), jnp.float32),
            pltpu.SemaphoreType.DMA,
        ],
        input_output_aliases={8: 0},
        compiler_params=pltpu.CompilerParams(
            dimension_semantics=("arbitrary", "arbitrary"),
        ),
    )(selxb, wqt_b, bq2, kv, kv, wpt_b, bp2, idx3, xcopy2d)



def kernel(x, attention_rollout, Wq, bq, Wkv, bkv, Wp, bp):
    row0 = attention_rollout[:, 0, :].reshape(B, 1, N)
    idx3 = _topk_indices(row0)
    idx_flat = idx3.reshape(B * K_PAD)
    x2d = x.reshape(B * N, C)
    selxb = _sc_gather()(x2d, idx_flat).reshape(B, K_PAD, C).astype(
        jnp.bfloat16)
    kv, xcopy = _kvproj(x, Wkv.astype(jnp.bfloat16), bkv.reshape(1, 2 * C))
    out = _head_attention(
        selxb, kv, Wq.astype(jnp.bfloat16), bq.reshape(H, 1, DH),
        Wp.astype(jnp.bfloat16), bp.reshape(1, 1, C),
        idx3, xcopy.reshape(B * N, C))
    return out.reshape(B, N, C)

# --- scband reference (transcript-rebuilt; emitter-appended) ---
"""Pipeline reference for scband-global-local-cross-attention-15994458211158 (READ-ONLY COPY).

The authoritative reference and input builder live on the scoring server;
editing this copy changes nothing except your own understanding.
"""

import jax, jax.numpy as jnp
import numpy as np

B, N, C, H = 2, 4096, 768, 12
DH = C // H
LOCAL_RATIO = 0.1

def setup_inputs(seed: int = 0) -> dict:
    key = jax.random.key(seed)
    ks = jax.random.split(key, 8)
    x = jax.random.normal(ks[0], (B, N, C), dtype=jnp.float32)
    attention_rollout = jax.random.uniform(ks[1], (B, N, N), dtype=jnp.float32)
    s = 1.0 / np.sqrt(C)
    Wq = jax.random.normal(ks[2], (C, C), dtype=jnp.float32) * s
    bq = jnp.zeros((C,), dtype=jnp.float32)
    Wkv = jax.random.normal(ks[3], (2 * C, C), dtype=jnp.float32) * s
    bkv = jnp.zeros((2 * C,), dtype=jnp.float32)
    Wp = jax.random.normal(ks[4], (C, C), dtype=jnp.float32) * s
    bp = jnp.zeros((C,), dtype=jnp.float32)
    return {"x": x, "attention_rollout": attention_rollout, "Wq": Wq, "bq": bq, "Wkv": Wkv, "bkv": bkv, "Wp": Wp, "bp": bp}

def reference(x, attention_rollout, Wq, bq, Wkv, bkv, Wp, bp):
    # select_top_queries: CLS-token attention to patch tokens
    cls_attention = attention_rollout[:, 0, 1:]  # (B, N-1)
    num_sel = max(1, int(LOCAL_RATIO * (N - 1)))
    _, top_idx = jax.lax.top_k(cls_attention, num_sel)  # (B, num_sel)
    top_idx = top_idx + 1
    sel_q = jnp.take_along_axis(x, top_idx[:, :, None], axis=1)  # (B, num_sel, C)
    scale = DH ** (-0.5)
    q = (sel_q @ Wq.T + bq).reshape(B, num_sel, H, DH).transpose(0, 2, 1, 3)  # (B,H,L,dh)
    kv = (x @ Wkv.T + bkv).reshape(B, N, 2, H, DH).transpose(2, 0, 3, 1, 4)  # (2,B,H,N,dh)
    k, v = kv[0], kv[1]
    attn = q @ k.transpose(0, 1, 3, 2) * scale  # (B,H,L,N)
    attn = jax.nn.softmax(attn, axis=-1)
    local_out = (attn @ v).transpose(0, 2, 1, 3).reshape(B, num_sel, C)
    local_out = local_out @ Wp.T + bp
    # scatter local outputs back; non-selected positions pass through x
    bidx = jnp.arange(B)[:, None]
    out = x.at[bidx, top_idx].set(local_out)
    return out

if __name__ == "__main__":
    import jax
    _d = setup_inputs()
    print(jax.jit(kernel)(*tuple(_d.values())))

</pallas_src>

<mosaic_0001>
#map = affine_map<(d0, d1) -> (0, 0)>
#map1 = affine_map<(d0, d1) -> (0)>
module attributes {stable_mosaic.version = 14 : i64} {
  func.func @gather(%arg0: i32, %arg1: i32, %arg2: memref<8192x768xf32, #tpu.memory_space<hbm>>, %arg3: memref<832xi32, #tpu.memory_space<hbm>>, %arg4: memref<832x768xf32, #tpu.memory_space<hbm>>, %arg5: memref<32xi32, #tpu.memory_space<vmem>>, %arg6: memref<32x768xf32, #tpu.memory_space<vmem>>, %arg7: memref<!tpu.dma_semaphore, #tpu.memory_space<semaphore_mem>>) attributes {dimension_semantics = [#tpu.dimension_semantics<core_parallel>, #tpu.dimension_semantics<subcore_parallel>], iteration_bounds = array<i64: 2, 16>, scalar_prefetch = 0 : i64, scratch_operands = 3 : i64, tpu.core_type = #tpu.core_type<sc_vector_subcore>, window_params = [{transform_indices = #map}, {transform_indices = #map1}, {transform_indices = #map}]} {
    %mul3A = arith.constant 2 : i32
    %mul3A_0 = arith.muli %arg1, %mul3A : i32
    %add3A = arith.addi %mul3A_0, %arg0 : i32
    %lt3A = arith.constant 26 : i32
    %lt3A_1 = arith.cmpi slt, %add3A, %lt3A : i32
    %convert_element_type3A = arith.extui %lt3A_1 : i1 to i32
    %cond3A = arith.constant 0 : i32
    %cond3A_2 = arith.cmpi ne, %convert_element_type3A, %cond3A : i32
    scf.if %cond3A_2 {
      %mul3A_3 = arith.constant 32 : i32
      %mul3A_4 = arith.muli %add3A, %mul3A_3 : i32
      "tpu.region"() ({
        %run_scoped3A = tpu.sem_alloc : memref<!tpu.dma_semaphore, #tpu.memory_space<semaphore_mem>>
        %dma_start3A_9 = tpu.memref_slice %arg3[%mul3A_4] : memref<832xi32, #tpu.memory_space<hbm>> -> memref<32xi32, #tpu.memory_space<hbm>>
        %dma_start3A_10 = tpu.memref_slice %arg3[%mul3A_4] : memref<832xi32, #tpu.memory_space<hbm>> -> memref<32xi32, #tpu.memory_space<hbm>>
        tpu.enqueue_dma source(%dma_start3A_10 : memref<32xi32, #tpu.memory_space<hbm>>) target(%arg5 : memref<32xi32, #tpu.memory_space<vmem>>) target_semaphore(%run_scoped3A : memref<!tpu.dma_semaphore, #tpu.memory_space<semaphore_mem>>)
        %dma_wait3A_11 = tpu.memref_slice %arg3[%mul3A_4] : memref<832xi32, #tpu.memory_space<hbm>> -> memref<32xi32, #tpu.memory_space<hbm>>
        %dma_wait3A_12 = tpu.memref_slice %arg3[%mul3A_4] : memref<832xi32, #tpu.memory_space<hbm>> -> memref<32xi32, #tpu.memory_space<hbm>>
        tpu.wait_dma2 semaphore(%run_scoped3A : memref<!tpu.dma_semaphore, #tpu.memory_space<semaphore_mem>>) src(%dma_wait3A_12 : memref<32xi32, #tpu.memory_space<hbm>>) dst(%arg5 : memref<32xi32, #tpu.memory_space<vmem>>)
        tpu.yield
      }) : () -> ()
      %dma_start3A = arith.constant 0 : i32
      %dma_start3A_5 = arith.constant 0 : i32
      %dma_start3A_6 = tpu.memref_slice %arg2[%dma_start3A, %dma_start3A_5] : memref<8192x768xf32, #tpu.memory_space<hbm>> -> memref<8192x768xf32, #tpu.memory_space<hbm>>
      tpu.enqueue_indirect_dma source(%dma_start3A_6 : memref<8192x768xf32, #tpu.memory_space<hbm>>) target(%arg6 : memref<32x768xf32, #tpu.memory_space<vmem>>) offsets(%arg5 : memref<32xi32, #tpu.memory_space<vmem>>) semaphore(%arg7 : memref<!tpu.dma_semaphore, #tpu.memory_space<semaphore_mem>>)
      %dma_wait3A = arith.constant 0 : i32
      %dma_wait3A_7 = arith.constant 0 : i32
      %dma_wait3A_8 = tpu.memref_slice %arg2[%dma_wait3A, %dma_wait3A_7] : memref<8192x768xf32, #tpu.memory_space<hbm>> -> memref<8192x768xf32, #tpu.memory_space<hbm>>
      tpu.wait_indirect_dma semaphore(%arg7 : memref<!tpu.dma_semaphore, #tpu.memory_space<semaphore_mem>>) src(%dma_wait3A_8 : memref<8192x768xf32, #tpu.memory_space<hbm>>) dst(%arg6 : memref<32x768xf32, #tpu.memory_space<vmem>>)
      "tpu.region"() ({
        %run_scoped3A = tpu.sem_alloc : memref<!tpu.dma_semaphore, #tpu.memory_space<semaphore_mem>>
        %dma_start3A_9 = arith.constant 0 : i32
        %dma_start3A_10 = tpu.memref_slice %arg4[%mul3A_4, %dma_start3A_9] : memref<832x768xf32, #tpu.memory_space<hbm>> -> memref<32x768xf32, #tpu.memory_space<hbm>>
        %dma_start3A_11 = arith.constant 0 : i32
        %dma_start3A_12 = tpu.memref_slice %arg4[%mul3A_4, %dma_start3A_11] : memref<832x768xf32, #tpu.memory_space<hbm>> -> memref<32x768xf32, #tpu.memory_space<hbm>>
        tpu.enqueue_dma source(%arg6 : memref<32x768xf32, #tpu.memory_space<vmem>>) target(%dma_start3A_12 : memref<32x768xf32, #tpu.memory_space<hbm>>) target_semaphore(%run_scoped3A : memref<!tpu.dma_semaphore, #tpu.memory_space<semaphore_mem>>)
        %dma_wait3A_13 = arith.constant 0 : i32
        %dma_wait3A_14 = tpu.memref_slice %arg4[%mul3A_4, %dma_wait3A_13] : memref<832x768xf32, #tpu.memory_space<hbm>> -> memref<32x768xf32, #tpu.memory_space<hbm>>
        %dma_wait3A_15 = arith.constant 0 : i32
        %dma_wait3A_16 = tpu.memref_slice %arg4[%mul3A_4, %dma_wait3A_15] : memref<832x768xf32, #tpu.memory_space<hbm>> -> memref<32x768xf32, #tpu.memory_space<hbm>>
        tpu.wait_dma2 semaphore(%run_scoped3A : memref<!tpu.dma_semaphore, #tpu.memory_space<semaphore_mem>>) src(%arg6 : memref<32x768xf32, #tpu.memory_space<vmem>>) dst(%dma_wait3A_16 : memref<32x768xf32, #tpu.memory_space<hbm>>)
        tpu.yield
      }) : () -> ()
    } else {
    }
    return
  }
}

module attributes {stable_mosaic.version = 14 : i64} {
  func.func @_topk_body(%arg0: i32, %arg1: memref<1x1x4096xf32, #tpu.memory_space<vmem>>, %arg2: memref<1x1x416xi32, #tpu.memory_space<vmem>>) attributes {dimension_semantics = [#tpu.dimension_semantics<arbitrary>], iteration_bounds = array<i64: 2>, scalar_prefetch = 0 : i64, scratch_operands = 0 : i64, tpu.core_type = #tpu.core_type<tc>, window_params = [{transform_indices = @transform_0, window_bounds = array<i64: 1, 1, 4096>}, {transform_indices = @transform_1, window_bounds = array<i64: 1, 1, 416>}]} {
    %get3A = arith.constant 0 : index
    %get3A_0 = arith.constant 0 : index
    %get3A_1 = arith.constant 0 : index
    %get3A_2 = vector.load %arg1[%get3A, %get3A_0, %get3A_1] : memref<1x1x4096xf32, #tpu.memory_space<vmem>>, vector<1x1x4096xf32>
    %get3A_3 = vector.shape_cast %get3A_2 : vector<1x1x4096xf32> to vector<1x4096xf32>
    %bitcast_convert_type3A = tpu.bitcast %get3A_3 : vector<1x4096xf32> -> vector<1x4096xi32>
    %iota3A = tpu.iota {dimensions = array<i32: 1>} : vector<1x4096xi32>
    %eq3A = arith.constant 0 : i32
    %eq3A_4 = vector.broadcast %eq3A : i32 to vector<1x4096xi32>
    %eq3A_5 = arith.cmpi eq, %iota3A, %eq3A_4 : vector<1x4096xi32>
    %jit3A = arith.constant -1 : i32
    %broadcast_in_dim3A = vector.broadcast %jit3A : i32 to vector<1x4096xi32>
    %select_n3A = arith.select %eq3A_5, %broadcast_in_dim3A, %bitcast_convert_type3A : vector<1x4096xi1>, vector<1x4096xi32>
    %scan3A = arith.constant -1 : i32
    %scan3A_6 = arith.constant 1065353216 : i32
    %scan3A_7 = arith.constant 0 : i32
    %scan3A_8 = arith.constant 31 : i32
    %scan3A_9 = arith.addi %scan3A_7, %scan3A_8 : i32
    %scan3A_10 = arith.constant 1 : i32
    %scan3A_11:2 = scf.for %scan3A_188 = %scan3A_7 to %scan3A_9 step %scan3A_10 iter_args(%scan3A_189 = %scan3A, %scan3A_190 = %scan3A_6) -> (i32, i32)  : i32 {
      %add3A_191 = arith.addi %scan3A_189, %scan3A_190 : i32
      %jit3A_192 = arith.constant 2 : i32
      %div3A = arith.divsi %add3A_191, %jit3A_192 : i32
      %sign3A = arith.constant 0 : i32
      %sign3A_193 = arith.cmpi sgt, %add3A_191, %sign3A : i32
      %sign3A_194 = arith.extui %sign3A_193 : i1 to i32
      %sign3A_195 = arith.constant 0 : i32
      %sign3A_196 = arith.cmpi slt, %add3A_191, %sign3A_195 : i32
      %sign3A_197 = arith.extui %sign3A_196 : i1 to i32
      %sign3A_198 = arith.subi %sign3A_194, %sign3A_197 : i32
      %sign3A_199 = arith.constant 0 : i32
      %sign3A_200 = arith.cmpi sgt, %jit3A_192, %sign3A_199 : i32
      %sign3A_201 = arith.extui %sign3A_200 : i1 to i32
      %sign3A_202 = arith.constant 0 : i32
      %sign3A_203 = arith.cmpi slt, %jit3A_192, %sign3A_202 : i32
      %sign3A_204 = arith.extui %sign3A_203 : i1 to i32
      %sign3A_205 = arith.subi %sign3A_201, %sign3A_204 : i32
      %ne3A = arith.cmpi ne, %sign3A_198, %sign3A_205 : i32
      %rem3A = arith.remsi %add3A_191, %jit3A_192 : i32
      %ne3A_206 = arith.constant 0 : i32
      %ne3A_207 = arith.cmpi ne, %rem3A, %ne3A_206 : i32
      %and3A = arith.andi %ne3A, %ne3A_207 : i1
      %sub3A_208 = arith.constant 1 : i32
      %sub3A_209 = arith.subi %div3A, %sub3A_208 : i32
      %select_n3A_210 = arith.select %and3A, %sub3A_209, %div3A : i32
      %gt3A_211 = vector.broadcast %select_n3A_210 : i32 to vector<1x4096xi32>
      %gt3A_212 = arith.cmpi sgt, %select_n3A, %gt3A_211 : vector<1x4096xi32>
      %convert_element_type3A_213 = arith.extui %gt3A_212 : vector<1x4096xi1> to vector<1x4096xi32>
      %reduce_sum3A_214 = vector.shape_cast %convert_element_type3A_213 : vector<1x4096xi32> to vector<1x1x4096xi32>
      %reduce_sum3A_215 = arith.constant dense<0> : vector<1xi32>
      %reduce_sum3A_216 = vector.multi_reduction <add>, %reduce_sum3A_214, %reduce_sum3A_215 [1, 2] : vector<1x1x4096xi32> to vector<1xi32>
      %reduce_sum3A_217 = vector.shape_cast %reduce_sum3A_216 : vector<1xi32> to vector<1x1x1xi32>
      %reduce_sum3A_218 = vector.extract %reduce_sum3A_217[0, 0, 0] : i32 from vector<1x1x1xi32>
      %ge3A = arith.constant 409 : i32
      %ge3A_219 = arith.cmpi sge, %reduce_sum3A_218, %ge3A : i32
      %select_n3A_220 = arith.select %ge3A_219, %select_n3A_210, %scan3A_189 : i32
      %select_n3A_221 = arith.select %ge3A_219, %scan3A_190, %select_n3A_210 : i32
      scf.yield %select_n3A_220, %select_n3A_221 : i32, i32
    }
    %gt3A = vector.broadcast %scan3A_11#1 : i32 to vector<1x4096xi32>
    %gt3A_12 = arith.cmpi sgt, %select_n3A, %gt3A : vector<1x4096xi32>
    %convert_element_type3A = arith.extui %gt3A_12 : vector<1x4096xi1> to vector<1x4096xi32>
    %eq3A_13 = vector.broadcast %scan3A_11#1 : i32 to vector<1x4096xi32>
    %eq3A_14 = arith.cmpi eq, %select_n3A, %eq3A_13 : vector<1x4096xi32>
    %convert_element_type3A_15 = arith.extui %eq3A_14 : vector<1x4096xi1> to vector<1x4096xi32>
    %reduce_sum3A = vector.shape_cast %convert_element_type3A : vector<1x4096xi32> to vector<1x1x4096xi32>
    %reduce_sum3A_16 = arith.constant dense<0> : vector<1xi32>
    %reduce_sum3A_17 = vector.multi_reduction <add>, %reduce_sum3A, %reduce_sum3A_16 [1, 2] : vector<1x1x4096xi32> to vector<1xi32>
    %reduce_sum3A_18 = vector.shape_cast %reduce_sum3A_17 : vector<1xi32> to vector<1x1x1xi32>
    %reduce_sum3A_19 = vector.extract %reduce_sum3A_18[0, 0, 0] : i32 from vector<1x1x1xi32>
    %broadcast_in_dim3A_20 = arith.constant 0 : i32
    %broadcast_in_dim3A_21 = vector.broadcast %broadcast_in_dim3A_20 : i32 to vector<1x1xi32>
    %slice3A = vector.extract_strided_slice %convert_element_type3A {offsets = [0, 0], sizes = [1, 4095], strides = [1, 1]} : vector<1x4096xi32> to vector<1x4095xi32>
    %concatenate3A = tpu.concatenate %broadcast_in_dim3A_21, %slice3A in 1 : vector<1x1xi32>, vector<1x4095xi32> -> vector<1x4096xi32>
    %add3A = arith.addi %convert_element_type3A, %concatenate3A : vector<1x4096xi32>
    %broadcast_in_dim3A_22 = arith.constant 0 : i32
    %broadcast_in_dim3A_23 = vector.broadcast %broadcast_in_dim3A_22 : i32 to vector<1x2xi32>
    %slice3A_24 = vector.extract_strided_slice %add3A {offsets = [0, 0], sizes = [1, 4094], strides = [1, 1]} : vector<1x4096xi32> to vector<1x4094xi32>
    %concatenate3A_25 = tpu.concatenate %broadcast_in_dim3A_23, %slice3A_24 in 1 : vector<1x2xi32>, vector<1x4094xi32> -> vector<1x4096xi32>
    %add3A_26 = arith.addi %add3A, %concatenate3A_25 : vector<1x4096xi32>
    %broadcast_in_dim3A_27 = arith.constant 0 : i32
    %broadcast_in_dim3A_28 = vector.broadcast %broadcast_in_dim3A_27 : i32 to vector<1x4xi32>
    %slice3A_29 = vector.extract_strided_slice %add3A_26 {offsets = [0, 0], sizes = [1, 4092], strides = [1, 1]} : vector<1x4096xi32> to vector<1x4092xi32>
    %concatenate3A_30 = tpu.concatenate %broadcast_in_dim3A_28, %slice3A_29 in 1 : vector<1x4xi32>, vector<1x4092xi32> -> vector<1x4096xi32>
    %add3A_31 = arith.addi %add3A_26, %concatenate3A_30 : vector<1x4096xi32>
    %broadcast_in_dim3A_32 = arith.constant 0 : i32
    %broadcast_in_dim3A_33 = vector.broadcast %broadcast_in_dim3A_32 : i32 to vector<1x8xi32>
    %slice3A_34 = vector.extract_strided_slice %add3A_31 {offsets = [0, 0], sizes = [1, 4088], strides = [1, 1]} : vector<1x4096xi32> to vector<1x4088xi32>
    %concatenate3A_35 = tpu.concatenate %broadcast_in_dim3A_33, %slice3A_34 in 1 : vector<1x8xi32>, vector<1x4088xi32> -> vector<1x4096xi32>
    %add3A_36 = arith.addi %add3A_31, %concatenate3A_35 : vector<1x4096xi32>
    %broadcast_in_dim3A_37 = arith.constant 0 : i32
    %broadcast_in_dim3A_38 = vector.broadcast %broadcast_in_dim3A_37 : i32 to vector<1x16xi32>
    %slice3A_39 = vector.extract_strided_slice %add3A_36 {offsets = [0, 0], sizes = [1, 4080], strides = [1, 1]} : vector<1x4096xi32> to vector<1x4080xi32>
    %concatenate3A_40 = tpu.concatenate %broadcast_in_dim3A_38, %slice3A_39 in 1 : vector<1x16xi32>, vector<1x4080xi32> -> vector<1x4096xi32>
    %add3A_41 = arith.addi %add3A_36, %concatenate3A_40 : vector<1x4096xi32>
    %broadcast_in_dim3A_42 = arith.constant 0 : i32
    %broadcast_in_dim3A_43 = vector.broadcast %broadcast_in_dim3A_42 : i32 to vector<1x32xi32>
    %slice3A_44 = vector.extract_strided_slice %add3A_41 {offsets = [0, 0], sizes = [1, 4064], strides = [1, 1]} : vector<1x4096xi32> to vector<1x4064xi32>
    %concatenate3A_45 = tpu.concatenate %broadcast_in_dim3A_43, %slice3A_44 in 1 : vector<1x32xi32>, vector<1x4064xi32> -> vector<1x4096xi32>
    %add3A_46 = arith.addi %add3A_41, %concatenate3A_45 : vector<1x4096xi32>
    %broadcast_in_dim3A_47 = arith.constant 0 : i32
    %broadcast_in_dim3A_48 = vector.broadcast %broadcast_in_dim3A_47 : i32 to vector<1x64xi32>
    %slice3A_49 = vector.extract_strided_slice %add3A_46 {offsets = [0, 0], sizes = [1, 4032], strides = [1, 1]} : vector<1x4096xi32> to vector<1x4032xi32>
    %concatenate3A_50 = tpu.concatenate %broadcast_in_dim3A_48, %slice3A_49 in 1 : vector<1x64xi32>, vector<1x4032xi32> -> vector<1x4096xi32>
    %add3A_51 = arith.addi %add3A_46, %concatenate3A_50 : vector<1x4096xi32>
    %broadcast_in_dim3A_52 = arith.constant 0 : i32
    %broadcast_in_dim3A_53 = vector.broadcast %broadcast_in_dim3A_52 : i32 to vector<1x128xi32>
    %slice3A_54 = vector.extract_strided_slice %add3A_51 {offsets = [0, 0], sizes = [1, 3968], strides = [1, 1]} : vector<1x4096xi32> to vector<1x3968xi32>
    %concatenate3A_55 = tpu.concatenate %broadcast_in_dim3A_53, %slice3A_54 in 1 : vector<1x128xi32>, vector<1x3968xi32> -> vector<1x4096xi32>
    %add3A_56 = arith.addi %add3A_51, %concatenate3A_55 : vector<1x4096xi32>
    %broadcast_in_dim3A_57 = arith.constant 0 : i32
    %broadcast_in_dim3A_58 = vector.broadcast %broadcast_in_dim3A_57 : i32 to vector<1x256xi32>
    %slice3A_59 = vector.extract_strided_slice %add3A_56 {offsets = [0, 0], sizes = [1, 3840], strides = [1, 1]} : vector<1x4096xi32> to vector<1x3840xi32>
    %concatenate3A_60 = tpu.concatenate %broadcast_in_dim3A_58, %slice3A_59 in 1 : vector<1x256xi32>, vector<1x3840xi32> -> vector<1x4096xi32>
    %add3A_61 = arith.addi %add3A_56, %concatenate3A_60 : vector<1x4096xi32>
    %broadcast_in_dim3A_62 = arith.constant 0 : i32
    %broadcast_in_dim3A_63 = vector.broadcast %broadcast_in_dim3A_62 : i32 to vector<1x512xi32>
    %slice3A_64 = vector.extract_strided_slice %add3A_61 {offsets = [0, 0], sizes = [1, 3584], strides = [1, 1]} : vector<1x4096xi32> to vector<1x3584xi32>
    %concatenate3A_65 = tpu.concatenate %broadcast_in_dim3A_63, %slice3A_64 in 1 : vector<1x512xi32>, vector<1x3584xi32> -> vector<1x4096xi32>
    %add3A_66 = arith.addi %add3A_61, %concatenate3A_65 : vector<1x4096xi32>
    %broadcast_in_dim3A_67 = arith.constant 0 : i32
    %broadcast_in_dim3A_68 = vector.broadcast %broadcast_in_dim3A_67 : i32 to vector<1x1024xi32>
    %slice3A_69 = vector.extract_strided_slice %add3A_66 {offsets = [0, 0], sizes = [1, 3072], strides = [1, 1]} : vector<1x4096xi32> to vector<1x3072xi32>
    %concatenate3A_70 = tpu.concatenate %broadcast_in_dim3A_68, %slice3A_69 in 1 : vector<1x1024xi32>, vector<1x3072xi32> -> vector<1x4096xi32>
    %add3A_71 = arith.addi %add3A_66, %concatenate3A_70 : vector<1x4096xi32>
    %broadcast_in_dim3A_72 = arith.constant 0 : i32
    %broadcast_in_dim3A_73 = vector.broadcast %broadcast_in_dim3A_72 : i32 to vector<1x2048xi32>
    %slice3A_74 = vector.extract_strided_slice %add3A_71 {offsets = [0, 0], sizes = [1, 2048], strides = [1, 1]} : vector<1x4096xi32> to vector<1x2048xi32>
    %concatenate3A_75 = tpu.concatenate %broadcast_in_dim3A_73, %slice3A_74 in 1 : vector<1x2048xi32>, vector<1x2048xi32> -> vector<1x4096xi32>
    %add3A_76 = arith.addi %add3A_71, %concatenate3A_75 : vector<1x4096xi32>
    %broadcast_in_dim3A_77 = arith.constant 0 : i32
    %broadcast_in_dim3A_78 = vector.broadcast %broadcast_in_dim3A_77 : i32 to vector<1x1xi32>
    %slice3A_79 = vector.extract_strided_slice %convert_element_type3A_15 {offsets = [0, 0], sizes = [1, 4095], strides = [1, 1]} : vector<1x4096xi32> to vector<1x4095xi32>
    %concatenate3A_80 = tpu.concatenate %broadcast_in_dim3A_78, %slice3A_79 in 1 : vector<1x1xi32>, vector<1x4095xi32> -> vector<1x4096xi32>
    %add3A_81 = arith.addi %convert_element_type3A_15, %concatenate3A_80 : vector<1x4096xi32>
    %broadcast_in_dim3A_82 = arith.constant 0 : i32
    %broadcast_in_dim3A_83 = vector.broadcast %broadcast_in_dim3A_82 : i32 to vector<1x2xi32>
    %slice3A_84 = vector.extract_strided_slice %add3A_81 {offsets = [0, 0], sizes = [1, 4094], strides = [1, 1]} : vector<1x4096xi32> to vector<1x4094xi32>
    %concatenate3A_85 = tpu.concatenate %broadcast_in_dim3A_83, %slice3A_84 in 1 : vector<1x2xi32>, vector<1x4094xi32> -> vector<1x4096xi32>
    %add3A_86 = arith.addi %add3A_81, %concatenate3A_85 : vector<1x4096xi32>
    %broadcast_in_dim3A_87 = arith.constant 0 : i32
    %broadcast_in_dim3A_88 = vector.broadcast %broadcast_in_dim3A_87 : i32 to vector<1x4xi32>
    %slice3A_89 = vector.extract_strided_slice %add3A_86 {offsets = [0, 0], sizes = [1, 4092], strides = [1, 1]} : vector<1x4096xi32> to vector<1x4092xi32>
    %concatenate3A_90 = tpu.concatenate %broadcast_in_dim3A_88, %slice3A_89 in 1 : vector<1x4xi32>, vector<1x4092xi32> -> vector<1x4096xi32>
    %add3A_91 = arith.addi %add3A_86, %concatenate3A_90 : vector<1x4096xi32>
    %broadcast_in_dim3A_92 = arith.constant 0 : i32
    %broadcast_in_dim3A_93 = vector.broadcast %broadcast_in_dim3A_92 : i32 to vector<1x8xi32>
    %slice3A_94 = vector.extract_strided_slice %add3A_91 {offsets = [0, 0], sizes = [1, 4088], strides = [1, 1]} : vector<1x4096xi32> to vector<1x4088xi32>
    %concatenate3A_95 = tpu.concatenate %broadcast_in_dim3A_93, %slice3A_94 in 1 : vector<1x8xi32>, vector<1x4088xi32> -> vector<1x4096xi32>
    %add3A_96 = arith.addi %add3A_91, %concatenate3A_95 : vector<1x4096xi32>
    %broadcast_in_dim3A_97 = arith.constant 0 : i32
    %broadcast_in_dim3A_98 = vector.broadcast %broadcast_in_dim3A_97 : i32 to vector<1x16xi32>
    %slice3A_99 = vector.extract_strided_slice %add3A_96 {offsets = [0, 0], sizes = [1, 4080], strides = [1, 1]} : vector<1x4096xi32> to vector<1x4080xi32>
    %concatenate3A_100 = tpu.concatenate %broadcast_in_dim3A_98, %slice3A_99 in 1 : vector<1x16xi32>, vector<1x4080xi32> -> vector<1x4096xi32>
    %add3A_101 = arith.addi %add3A_96, %concatenate3A_100 : vector<1x4096xi32>
    %broadcast_in_dim3A_102 = arith.constant 0 : i32
    %broadcast_in_dim3A_103 = vector.broadcast %broadcast_in_dim3A_102 : i32 to vector<1x32xi32>
    %slice3A_104 = vector.extract_strided_slice %add3A_101 {offsets = [0, 0], sizes = [1, 4064], strides = [1, 1]} : vector<1x4096xi32> to vector<1x4064xi32>
    %concatenate3A_105 = tpu.concatenate %broadcast_in_dim3A_103, %slice3A_104 in 1 : vector<1x32xi32>, vector<1x4064xi32> -> vector<1x4096xi32>
    %add3A_106 = arith.addi %add3A_101, %concatenate3A_105 : vector<1x4096xi32>
    %broadcast_in_dim3A_107 = arith.constant 0 : i32
    %broadcast_in_dim3A_108 = vector.broadcast %broadcast_in_dim3A_107 : i32 to vector<1x64xi32>
    %slice3A_109 = vector.extract_strided_slice %add3A_106 {offsets = [0, 0], sizes = [1, 4032], strides = [1, 1]} : vector<1x4096xi32> to vector<1x4032xi32>
    %concatenate3A_110 = tpu.concatenate %broadcast_in_dim3A_108, %slice3A_109 in 1 : vector<1x64xi32>, vector<1x4032xi32> -> vector<1x4096xi32>
    %add3A_111 = arith.addi %add3A_106, %concatenate3A_110 : vector<1x4096xi32>
    %broadcast_in_dim3A_112 = arith.constant 0 : i32
    %broadcast_in_dim3A_113 = vector.broadcast %broadcast_in_dim3A_112 : i32 to vector<1x128xi32>
    %slice3A_114 = vector.extract_strided_slice %add3A_111 {offsets = [0, 0], sizes = [1, 3968], strides = [1, 1]} : vector<1x4096xi32> to vector<1x3968xi32>
    %concatenate3A_115 = tpu.concatenate %broadcast_in_dim3A_113, %slice3A_114 in 1 : vector<1x128xi32>, vector<1x3968xi32> -> vector<1x4096xi32>
    %add3A_116 = arith.addi %add3A_111, %concatenate3A_115 : vector<1x4096xi32>
    %broadcast_in_dim3A_117 = arith.constant 0 : i32
    %broadcast_in_dim3A_118 = vector.broadcast %broadcast_in_dim3A_117 : i32 to vector<1x256xi32>
    %slice3A_119 = vector.extract_strided_slice %add3A_116 {offsets = [0, 0], sizes = [1, 3840], strides = [1, 1]} : vector<1x4096xi32> to vector<1x3840xi32>
    %concatenate3A_120 = tpu.concatenate %broadcast_in_dim3A_118, %slice3A_119 in 1 : vector<1x256xi32>, vector<1x3840xi32> -> vector<1x4096xi32>
    %add3A_121 = arith.addi %add3A_116, %concatenate3A_120 : vector<1x4096xi32>
    %broadcast_in_dim3A_122 = arith.constant 0 : i32
    %broadcast_in_dim3A_123 = vector.broadcast %broadcast_in_dim3A_122 : i32 to vector<1x512xi32>
    %slice3A_124 = vector.extract_strided_slice %add3A_121 {offsets = [0, 0], sizes = [1, 3584], strides = [1, 1]} : vector<1x4096xi32> to vector<1x3584xi32>
    %concatenate3A_125 = tpu.concatenate %broadcast_in_dim3A_123, %slice3A_124 in 1 : vector<1x512xi32>, vector<1x3584xi32> -> vector<1x4096xi32>
    %add3A_126 = arith.addi %add3A_121, %concatenate3A_125 : vector<1x4096xi32>
    %broadcast_in_dim3A_127 = arith.constant 0 : i32
    %broadcast_in_dim3A_128 = vector.broadcast %broadcast_in_dim3A_127 : i32 to vector<1x1024xi32>
    %slice3A_129 = vector.extract_strided_slice %add3A_126 {offsets = [0, 0], sizes = [1, 3072], strides = [1, 1]} : vector<1x4096xi32> to vector<1x3072xi32>
    %concatenate3A_130 = tpu.concatenate %broadcast_in_dim3A_128, %slice3A_129 in 1 : vector<1x1024xi32>, vector<1x3072xi32> -> vector<1x4096xi32>
    %add3A_131 = arith.addi %add3A_126, %concatenate3A_130 : vector<1x4096xi32>
    %broadcast_in_dim3A_132 = arith.constant 0 : i32
    %broadcast_in_dim3A_133 = vector.broadcast %broadcast_in_dim3A_132 : i32 to vector<1x2048xi32>
    %slice3A_134 = vector.extract_strided_slice %add3A_131 {offsets = [0, 0], sizes = [1, 2048], strides = [1, 1]} : vector<1x4096xi32> to vector<1x2048xi32>
    %concatenate3A_135 = tpu.concatenate %broadcast_in_dim3A_133, %slice3A_134 in 1 : vector<1x2048xi32>, vector<1x2048xi32> -> vector<1x4096xi32>
    %add3A_136 = arith.addi %add3A_131, %concatenate3A_135 : vector<1x4096xi32>
    %eq3A_137 = arith.constant 1 : i32
    %eq3A_138 = vector.broadcast %eq3A_137 : i32 to vector<1x4096xi32>
    %eq3A_139 = arith.cmpi eq, %convert_element_type3A, %eq3A_138 : vector<1x4096xi32>
    %sub3A = arith.constant 1 : i32
    %sub3A_140 = vector.broadcast %sub3A : i32 to vector<1x4096xi32>
    %sub3A_141 = arith.subi %add3A_76, %sub3A_140 : vector<1x4096xi32>
    %eq3A_142 = arith.constant 1 : i32
    %eq3A_143 = vector.broadcast %eq3A_142 : i32 to vector<1x4096xi32>
    %eq3A_144 = arith.cmpi eq, %convert_element_type3A_15, %eq3A_143 : vector<1x4096xi32>
    %add3A_145 = vector.broadcast %reduce_sum3A_19 : i32 to vector<1x4096xi32>
    %add3A_146 = arith.addi %add3A_145, %add3A_136 : vector<1x4096xi32>
    %sub3A_147 = arith.constant 1 : i32
    %sub3A_148 = vector.broadcast %sub3A_147 : i32 to vector<1x4096xi32>
    %sub3A_149 = arith.subi %add3A_146, %sub3A_148 : vector<1x4096xi32>
    %jit3A_150 = arith.constant 4096 : i32
    %broadcast_in_dim3A_151 = vector.broadcast %jit3A_150 : i32 to vector<1x4096xi32>
    %select_n3A_152 = arith.select %eq3A_144, %sub3A_149, %broadcast_in_dim3A_151 : vector<1x4096xi1>, vector<1x4096xi32>
    %select_n3A_153 = arith.select %eq3A_139, %sub3A_141, %select_n3A_152 : vector<1x4096xi1>, vector<1x4096xi32>
    %iota3A_154 = tpu.iota {dimensions = array<i32: 0>} : vector<416x1xi32>
    %eq3A_155 = vector.broadcast %select_n3A_153 : vector<1x4096xi32> to vector<416x4096xi32>
    %eq3A_156 = vector.broadcast %iota3A_154 : vector<416x1xi32> to vector<416x4096xi32>
    %eq3A_157 = arith.cmpi eq, %eq3A_155, %eq3A_156 : vector<416x4096xi32>
    %jit3A_158 = arith.constant 0 : i32
    %broadcast_in_dim3A_159 = vector.shape_cast %iota3A : vector<1x4096xi32> to vector<1x4096xi32>
    %broadcast_in_dim3A_160 = vector.broadcast %broadcast_in_dim3A_159 : vector<1x4096xi32> to vector<416x4096xi32>
    %broadcast_in_dim3A_161 = vector.broadcast %jit3A_158 : i32 to vector<416x4096xi32>
    %select_n3A_162 = arith.select %eq3A_157, %broadcast_in_dim3A_160, %broadcast_in_dim3A_161 : vector<416x4096xi1>, vector<416x4096xi32>
    %reduce_sum3A_163 = arith.constant dense<0> : vector<416xi32>
    %reduce_sum3A_164 = vector.multi_reduction <add>, %select_n3A_162, %reduce_sum3A_163 [1] : vector<416x4096xi32> to vector<416xi32>
    %eq3A_165 = arith.constant 0 : i32
    %eq3A_166 = vector.broadcast %eq3A_165 : i32 to vector<1x4096xi32>
    %eq3A_167 = arith.cmpi eq, %select_n3A_153, %eq3A_166 : vector<1x4096xi32>
    %jit3A_168 = arith.constant 0 : i32
    %broadcast_in_dim3A_169 = vector.broadcast %jit3A_168 : i32 to vector<1x4096xi32>
    %select_n3A_170 = arith.select %eq3A_167, %iota3A, %broadcast_in_dim3A_169 : vector<1x4096xi1>, vector<1x4096xi32>
    %reduce_sum3A_171 = vector.shape_cast %select_n3A_170 : vector<1x4096xi32> to vector<1x1x4096xi32>
    %reduce_sum3A_172 = arith.constant dense<0> : vector<1xi32>
    %reduce_sum3A_173 = vector.multi_reduction <add>, %reduce_sum3A_171, %reduce_sum3A_172 [1, 2] : vector<1x1x4096xi32> to vector<1xi32>
    %reduce_sum3A_174 = vector.shape_cast %reduce_sum3A_173 : vector<1xi32> to vector<1x1x1xi32>
    %reduce_sum3A_175 = vector.extract %reduce_sum3A_174[0, 0, 0] : i32 from vector<1x1x1xi32>
    %iota3A_176 = tpu.iota {dimensions = array<i32: 1>} : vector<1x416xi32>
    %iota3A_177 = vector.shape_cast %iota3A_176 : vector<1x416xi32> to vector<416xi32>
    %lt3A = arith.constant 409 : i32
    %lt3A_178 = vector.broadcast %lt3A : i32 to vector<416xi32>
    %lt3A_179 = arith.cmpi slt, %iota3A_177, %lt3A_178 : vector<416xi32>
    %broadcast_in_dim3A_180 = vector.broadcast %reduce_sum3A_175 : i32 to vector<416xi32>
    %select_n3A_181 = arith.select %lt3A_179, %reduce_sum3A_164, %broadcast_in_dim3A_180 : vector<416xi1>, vector<416xi32>
    %mul3A = arith.constant 4096 : i32
    %mul3A_182 = arith.muli %arg0, %mul3A : i32
    %add3A_183 = vector.broadcast %mul3A_182 : i32 to vector<416xi32>
    %add3A_184 = arith.addi %select_n3A_181, %add3A_183 : vector<416xi32>
    %reshape3A = vector.shape_cast %add3A_184 : vector<416xi32> to vector<1x1x416xi32>
    %swap3A = arith.constant 0 : index
    %swap3A_185 = arith.constant 0 : index
    %swap3A_186 = arith.constant 0 : index
    %swap3A_187 = vector.load %arg2[%swap3A, %swap3A_185, %swap3A_186] : memref<1x1x416xi32, #tpu.memory_space<vmem>>, vector<1x1x416xi32>
    tpu.vector_store %arg2[%swap3A, %swap3A_185, %swap3A_186], %reshape3A {strides = array<i32>} : memref<1x1x416xi32, #tpu.memory_space<vmem>>, vector<1x1x416xi32>,
    return
  }
  func.func @transform_0(%arg0: i32) -> (i32, i32, i32) {
    %c0_i32 = arith.constant 0 : i32
    %c0_i32_0 = arith.constant 0 : i32
    %c0_i32_1 = arith.constant 0 : i32
    return %arg0, %c0_i32, %c0_i32_0 : i32, i32, i32
  }
  func.func @transform_1(%arg0: i32) -> (i32, i32, i32) {
    %c0_i32 = arith.constant 0 : i32
    %c0_i32_0 = arith.constant 0 : i32
    %c0_i32_1 = arith.constant 0 : i32
    return %arg0, %c0_i32, %c0_i32_0 : i32, i32, i32
  }
}

module attributes {stable_mosaic.version = 14 : i64} {
  func.func @_kvproj_body(%arg0: i32, %arg1: i32, %arg2: memref<1x512x768xf32, #tpu.memory_space<vmem>>, %arg3: memref<1536x768xbf16, #tpu.memory_space<vmem>>, %arg4: memref<1x1536xf32, #tpu.memory_space<vmem>>, %arg5: memref<1x24x512x64xbf16, #tpu.memory_space<vmem>>, %arg6: memref<1x512x768xf32, #tpu.memory_space<vmem>>) attributes {dimension_semantics = [#tpu.dimension_semantics<arbitrary>, #tpu.dimension_semantics<arbitrary>], iteration_bounds = array<i64: 2, 8>, scalar_prefetch = 0 : i64, scratch_operands = 0 : i64, tpu.core_type = #tpu.core_type<tc>, window_params = [{transform_indices = @transform_0, window_bounds = array<i64: 1, 512, 768>}, {pipeline_mode = #tpu.pipeline_mode<synchronous>, transform_indices = @transform_1, window_bounds = array<i64: 1536, 768>}, {pipeline_mode = #tpu.pipeline_mode<synchronous>, transform_indices = @transform_2, window_bounds = array<i64: 1, 1536>}, {transform_indices = @transform_3, window_bounds = array<i64: 1, 24, 512, 64>}, {transform_indices = @transform_4, window_bounds = array<i64: 1, 512, 768>}]} {
    %get3A = arith.constant 0 : index
    %get3A_0 = arith.constant 0 : index
    %get3A_1 = arith.constant 0 : index
    %get3A_2 = vector.load %arg2[%get3A, %get3A_0, %get3A_1] : memref<1x512x768xf32, #tpu.memory_space<vmem>>, vector<1x512x768xf32>
    %get3A_3 = vector.shape_cast %get3A_2 : vector<1x512x768xf32> to vector<512x768xf32>
    %swap3A = arith.constant 0 : index
    %swap3A_4 = arith.constant 0 : index
    %swap3A_5 = arith.constant 0 : index
    %swap3A_6 = vector.load %arg6[%swap3A, %swap3A_4, %swap3A_5] : memref<1x512x768xf32, #tpu.memory_space<vmem>>, vector<1x512x768xf32>
    %swap3A_7 = vector.shape_cast %swap3A_6 : vector<1x512x768xf32> to vector<512x768xf32>
    %swap3A_8 = vector.shape_cast %get3A_3 : vector<512x768xf32> to vector<1x512x768xf32>
    tpu.vector_store %arg6[%swap3A, %swap3A_4, %swap3A_5], %swap3A_8 {strides = array<i32>} : memref<1x512x768xf32, #tpu.memory_space<vmem>>, vector<1x512x768xf32>,
    %convert_element_type3A = arith.truncf %get3A_3 : vector<512x768xf32> to vector<512x768xbf16>
    %get3A_9 = arith.constant 0 : index
    %get3A_10 = arith.constant 0 : index
    %get3A_11 = vector.load %arg3[%get3A_9, %get3A_10] : memref<1536x768xbf16, #tpu.memory_space<vmem>>, vector<1536x768xbf16>
    %dot_general3A = arith.constant dense<0.000000e+00> : vector<512x1536xf32>
    %dot_general3A_12 = tpu.matmul %convert_element_type3A, %get3A_11, %dot_general3A {dimension_numbers = #tpu.dot_dimension_numbers<[1], [1], [0], [0], [0, 0, 1, 0], [], []>, transpose_lhs_hint = false} : vector<512x768xbf16>, vector<1536x768xbf16>, vector<512x1536xf32> -> vector<512x1536xf32>
    %get3A_13 = arith.constant 0 : index
    %get3A_14 = arith.constant 0 : index
    %get3A_15 = vector.load %arg4[%get3A_13, %get3A_14] : memref<1x1536xf32, #tpu.memory_space<vmem>>, vector<1x1536xf32>
    %add3A = vector.broadcast %get3A_15 : vector<1x1536xf32> to vector<512x1536xf32>
    %add3A_16 = arith.addf %dot_general3A_12, %add3A : vector<512x1536xf32>
    %convert_element_type3A_17 = arith.truncf %add3A_16 : vector<512x1536xf32> to vector<512x1536xbf16>
    %slice3A = vector.extract_strided_slice %convert_element_type3A_17 {offsets = [0, 0], sizes = [512, 64], strides = [1, 1]} : vector<512x1536xbf16> to vector<512x64xbf16>
    %swap3A_18 = arith.constant 0 : index
    %swap3A_19 = arith.constant 0 : index
    %swap3A_20 = arith.constant 0 : index
    %swap3A_21 = arith.constant 0 : index
    %swap3A_22 = vector.load %arg5[%swap3A_18, %swap3A_19, %swap3A_20, %swap3A_21] : memref<1x24x512x64xbf16, #tpu.memory_space<vmem>>, vector<1x1x512x64xbf16>
    %swap3A_23 = vector.shape_cast %swap3A_22 : vector<1x1x512x64xbf16> to vector<512x64xbf16>
    %swap3A_24 = vector.shape_cast %slice3A : vector<512x64xbf16> to vector<1x1x512x64xbf16>
    tpu.vector_store %arg5[%swap3A_18, %swap3A_19, %swap3A_20, %swap3A_21], %swap3A_24 {strides = array<i32>} : memref<1x24x512x64xbf16, #tpu.memory_space<vmem>>, vector<1x1x512x64xbf16>,
    %slice3A_25 = vector.extract_strided_slice %convert_element_type3A_17 {offsets = [0, 64], sizes = [512, 64], strides = [1, 1]} : vector<512x1536xbf16> to vector<512x64xbf16>
    %swap3A_26 = arith.constant 0 : index
    %swap3A_27 = arith.constant 1 : index
    %swap3A_28 = arith.constant 0 : index
    %swap3A_29 = arith.constant 0 : index
    %swap3A_30 = vector.load %arg5[%swap3A_26, %swap3A_27, %swap3A_28, %swap3A_29] : memref<1x24x512x64xbf16, #tpu.memory_space<vmem>>, vector<1x1x512x64xbf16>
    %swap3A_31 = vector.shape_cast %swap3A_30 : vector<1x1x512x64xbf16> to vector<512x64xbf16>
    %swap3A_32 = vector.shape_cast %slice3A_25 : vector<512x64xbf16> to vector<1x1x512x64xbf16>
    tpu.vector_store %arg5[%swap3A_26, %swap3A_27, %swap3A_28, %swap3A_29], %swap3A_32 {strides = array<i32>} : memref<1x24x512x64xbf16, #tpu.memory_space<vmem>>, vector<1x1x512x64xbf16>,
    %slice3A_33 = vector.extract_strided_slice %convert_element_type3A_17 {offsets = [0, 128], sizes = [512, 64], strides = [1, 1]} : vector<512x1536xbf16> to vector<512x64xbf16>
    %swap3A_34 = arith.constant 0 : index
    %swap3A_35 = arith.constant 2 : index
    %swap3A_36 = arith.constant 0 : index
    %swap3A_37 = arith.constant 0 : index
    %swap3A_38 = vector.load %arg5[%swap3A_34, %swap3A_35, %swap3A_36, %swap3A_37] : memref<1x24x512x64xbf16, #tpu.memory_space<vmem>>, vector<1x1x512x64xbf16>
    %swap3A_39 = vector.shape_cast %swap3A_38 : vector<1x1x512x64xbf16> to vector<512x64xbf16>
    %swap3A_40 = vector.shape_cast %slice3A_33 : vector<512x64xbf16> to vector<1x1x512x64xbf16>
    tpu.vector_store %arg5[%swap3A_34, %swap3A_35, %swap3A_36, %swap3A_37], %swap3A_40 {strides = array<i32>} : memref<1x24x512x64xbf16, #tpu.memory_space<vmem>>, vector<1x1x512x64xbf16>,
    %slice3A_41 = vector.extract_strided_slice %convert_element_type3A_17 {offsets = [0, 192], sizes = [512, 64], strides = [1, 1]} : vector<512x1536xbf16> to vector<512x64xbf16>
    %swap3A_42 = arith.constant 0 : index
    %swap3A_43 = arith.constant 3 : index
    %swap3A_44 = arith.constant 0 : index
    %swap3A_45 = arith.constant 0 : index
    %swap3A_46 = vector.load %arg5[%swap3A_42, %swap3A_43, %swap3A_44, %swap3A_45] : memref<1x24x512x64xbf16, #tpu.memory_space<vmem>>, vector<1x1x512x64xbf16>
    %swap3A_47 = vector.shape_cast %swap3A_46 : vector<1x1x512x64xbf16> to vector<512x64xbf16>
    %swap3A_48 = vector.shape_cast %slice3A_41 : vector<512x64xbf16> to vector<1x1x512x64xbf16>
    tpu.vector_store %arg5[%swap3A_42, %swap3A_43, %swap3A_44, %swap3A_45], %swap3A_48 {strides = array<i32>} : memref<1x24x512x64xbf16, #tpu.memory_space<vmem>>, vector<1x1x512x64xbf16>,
    %slice3A_49 = vector.extract_strided_slice %convert_element_type3A_17 {offsets = [0, 256], sizes = [512, 64], strides = [1, 1]} : vector<512x1536xbf16> to vector<512x64xbf16>
    %swap3A_50 = arith.constant 0 : index
    %swap3A_51 = arith.constant 4 : index
    %swap3A_52 = arith.constant 0 : index
    %swap3A_53 = arith.constant 0 : index
    %swap3A_54 = vector.load %arg5[%swap3A_50, %swap3A_51, %swap3A_52, %swap3A_53] : memref<1x24x512x64xbf16, #tpu.memory_space<vmem>>, vector<1x1x512x64xbf16>
    %swap3A_55 = vector.shape_cast %swap3A_54 : vector<1x1x512x64xbf16> to vector<512x64xbf16>
    %swap3A_56 = vector.shape_cast %slice3A_49 : vector<512x64xbf16> to vector<1x1x512x64xbf16>
    tpu.vector_store %arg5[%swap3A_50, %swap3A_51, %swap3A_52, %swap3A_53], %swap3A_56 {strides = array<i32>} : memref<1x24x512x64xbf16, #tpu.memory_space<vmem>>, vector<1x1x512x64xbf16>,
    %slice3A_57 = vector.extract_strided_slice %convert_element_type3A_17 {offsets = [0, 320], sizes = [512, 64], strides = [1, 1]} : vector<512x1536xbf16> to vector<512x64xbf16>
    %swap3A_58 = arith.constant 0 : index
    %swap3A_59 = arith.constant 5 : index
    %swap3A_60 = arith.constant 0 : index
    %swap3A_61 = arith.constant 0 : index
    %swap3A_62 = vector.load %arg5[%swap3A_58, %swap3A_59, %swap3A_60, %swap3A_61] : memref<1x24x512x64xbf16, #tpu.memory_space<vmem>>, vector<1x1x512x64xbf16>
    %swap3A_63 = vector.shape_cast %swap3A_62 : vector<1x1x512x64xbf16> to vector<512x64xbf16>
    %swap3A_64 = vector.shape_cast %slice3A_57 : vector<512x64xbf16> to vector<1x1x512x64xbf16>
    tpu.vector_store %arg5[%swap3A_58, %swap3A_59, %swap3A_60, %swap3A_61], %swap3A_64 {strides = array<i32>} : memref<1x24x512x64xbf16, #tpu.memory_space<vmem>>, vector<1x1x512x64xbf16>,
    %slice3A_65 = vector.extract_strided_slice %convert_element_type3A_17 {offsets = [0, 384], sizes = [512, 64], strides = [1, 1]} : vector<512x1536xbf16> to vector<512x64xbf16>
    %swap3A_66 = arith.constant 0 : index
    %swap3A_67 = arith.constant 6 : index
    %swap3A_68 = arith.constant 0 : index
    %swap3A_69 = arith.constant 0 : index
    %swap3A_70 = vector.load %arg5[%swap3A_66, %swap3A_67, %swap3A_68, %swap3A_69] : memref<1x24x512x64xbf16, #tpu.memory_space<vmem>>, vector<1x1x512x64xbf16>
    %swap3A_71 = vector.shape_cast %swap3A_70 : vector<1x1x512x64xbf16> to vector<512x64xbf16>
    %swap3A_72 = vector.shape_cast %slice3A_65 : vector<512x64xbf16> to vector<1x1x512x64xbf16>
    tpu.vector_store %arg5[%swap3A_66, %swap3A_67, %swap3A_68, %swap3A_69], %swap3A_72 {strides = array<i32>} : memref<1x24x512x64xbf16, #tpu.memory_space<vmem>>, vector<1x1x512x64xbf16>,
    %slice3A_73 = vector.extract_strided_slice %convert_element_type3A_17 {offsets = [0, 448], sizes = [512, 64], strides = [1, 1]} : vector<512x1536xbf16> to vector<512x64xbf16>
    %swap3A_74 = arith.constant 0 : index
    %swap3A_75 = arith.constant 7 : index
    %swap3A_76 = arith.constant 0 : index
    %swap3A_77 = arith.constant 0 : index
    %swap3A_78 = vector.load %arg5[%swap3A_74, %swap3A_75, %swap3A_76, %swap3A_77] : memref<1x24x512x64xbf16, #tpu.memory_space<vmem>>, vector<1x1x512x64xbf16>
    %swap3A_79 = vector.shape_cast %swap3A_78 : vector<1x1x512x64xbf16> to vector<512x64xbf16>
    %swap3A_80 = vector.shape_cast %slice3A_73 : vector<512x64xbf16> to vector<1x1x512x64xbf16>
    tpu.vector_store %arg5[%swap3A_74, %swap3A_75, %swap3A_76, %swap3A_77], %swap3A_80 {strides = array<i32>} : memref<1x24x512x64xbf16, #tpu.memory_space<vmem>>, vector<1x1x512x64xbf16>,
    %slice3A_81 = vector.extract_strided_slice %convert_element_type3A_17 {offsets = [0, 512], sizes = [512, 64], strides = [1, 1]} : vector<512x1536xbf16> to vector<512x64xbf16>
    %swap3A_82 = arith.constant 0 : index
    %swap3A_83 = arith.constant 8 : index
    %swap3A_84 = arith.constant 0 : index
    %swap3A_85 = arith.constant 0 : index
    %swap3A_86 = vector.load %arg5[%swap3A_82, %swap3A_83, %swap3A_84, %swap3A_85] : memref<1x24x512x64xbf16, #tpu.memory_space<vmem>>, vector<1x1x512x64xbf16>
    %swap3A_87 = vector.shape_cast %swap3A_86 : vector<1x1x512x64xbf16> to vector<512x64xbf16>
    %swap3A_88 = vector.shape_cast %slice3A_81 : vector<512x64xbf16> to vector<1x1x512x64xbf16>
    tpu.vector_store %arg5[%swap3A_82, %swap3A_83, %swap3A_84, %swap3A_85], %swap3A_88 {strides = array<i32>} : memref<1x24x512x64xbf16, #tpu.memory_space<vmem>>, vector<1x1x512x64xbf16>,
    %slice3A_89 = vector.extract_strided_slice %convert_element_type3A_17 {offsets = [0, 576], sizes = [512, 64], strides = [1, 1]} : vector<512x1536xbf16> to vector<512x64xbf16>
    %swap3A_90 = arith.constant 0 : index
    %swap3A_91 = arith.constant 9 : index
    %swap3A_92 = arith.constant 0 : index
    %swap3A_93 = arith.constant 0 : index
    %swap3A_94 = vector.load %arg5[%swap3A_90, %swap3A_91, %swap3A_92, %swap3A_93] : memref<1x24x512x64xbf16, #tpu.memory_space<vmem>>, vector<1x1x512x64xbf16>
    %swap3A_95 = vector.shape_cast %swap3A_94 : vector<1x1x512x64xbf16> to vector<512x64xbf16>
    %swap3A_96 = vector.shape_cast %slice3A_89 : vector<512x64xbf16> to vector<1x1x512x64xbf16>
    tpu.vector_store %arg5[%swap3A_90, %swap3A_91, %swap3A_92, %swap3A_93], %swap3A_96 {strides = array<i32>} : memref<1x24x512x64xbf16, #tpu.memory_space<vmem>>, vector<1x1x512x64xbf16>,
    %slice3A_97 = vector.extract_strided_slice %convert_element_type3A_17 {offsets = [0, 640], sizes = [512, 64], strides = [1, 1]} : vector<512x1536xbf16> to vector<512x64xbf16>
    %swap3A_98 = arith.constant 0 : index
    %swap3A_99 = arith.constant 10 : index
    %swap3A_100 = arith.constant 0 : index
    %swap3A_101 = arith.constant 0 : index
    %swap3A_102 = vector.load %arg5[%swap3A_98, %swap3A_99, %swap3A_100, %swap3A_101] : memref<1x24x512x64xbf16, #tpu.memory_space<vmem>>, vector<1x1x512x64xbf16>
    %swap3A_103 = vector.shape_cast %swap3A_102 : vector<1x1x512x64xbf16> to vector<512x64xbf16>
    %swap3A_104 = vector.shape_cast %slice3A_97 : vector<512x64xbf16> to vector<1x1x512x64xbf16>
    tpu.vector_store %arg5[%swap3A_98, %swap3A_99, %swap3A_100, %swap3A_101], %swap3A_104 {strides = array<i32>} : memref<1x24x512x64xbf16, #tpu.memory_space<vmem>>, vector<1x1x512x64xbf16>,
    %slice3A_105 = vector.extract_strided_slice %convert_element_type3A_17 {offsets = [0, 704], sizes = [512, 64], strides = [1, 1]} : vector<512x1536xbf16> to vector<512x64xbf16>
    %swap3A_106 = arith.constant 0 : index
    %swap3A_107 = arith.constant 11 : index
    %swap3A_108 = arith.constant 0 : index
    %swap3A_109 = arith.constant 0 : index
    %swap3A_110 = vector.load %arg5[%swap3A_106, %swap3A_107, %swap3A_108, %swap3A_109] : memref<1x24x512x64xbf16, #tpu.memory_space<vmem>>, vector<1x1x512x64xbf16>
    %swap3A_111 = vector.shape_cast %swap3A_110 : vector<1x1x512x64xbf16> to vector<512x64xbf16>
    %swap3A_112 = vector.shape_cast %slice3A_105 : vector<512x64xbf16> to vector<1x1x512x64xbf16>
    tpu.vector_store %arg5[%swap3A_106, %swap3A_107, %swap3A_108, %swap3A_109], %swap3A_112 {strides = array<i32>} : memref<1x24x512x64xbf16, #tpu.memory_space<vmem>>, vector<1x1x512x64xbf16>,
    %slice3A_113 = vector.extract_strided_slice %convert_element_type3A_17 {offsets = [0, 768], sizes = [512, 64], strides = [1, 1]} : vector<512x1536xbf16> to vector<512x64xbf16>
    %swap3A_114 = arith.constant 0 : index
    %swap3A_115 = arith.constant 12 : index
    %swap3A_116 = arith.constant 0 : index
    %swap3A_117 = arith.constant 0 : index
    %swap3A_118 = vector.load %arg5[%swap3A_114, %swap3A_115, %swap3A_116, %swap3A_117] : memref<1x24x512x64xbf16, #tpu.memory_space<vmem>>, vector<1x1x512x64xbf16>
    %swap3A_119 = vector.shape_cast %swap3A_118 : vector<1x1x512x64xbf16> to vector<512x64xbf16>
    %swap3A_120 = vector.shape_cast %slice3A_113 : vector<512x64xbf16> to vector<1x1x512x64xbf16>
    tpu.vector_store %arg5[%swap3A_114, %swap3A_115, %swap3A_116, %swap3A_117], %swap3A_120 {strides = array<i32>} : memref<1x24x512x64xbf16, #tpu.memory_space<vmem>>, vector<1x1x512x64xbf16>,
    %slice3A_121 = vector.extract_strided_slice %convert_element_type3A_17 {offsets = [0, 832], sizes = [512, 64], strides = [1, 1]} : vector<512x1536xbf16> to vector<512x64xbf16>
    %swap3A_122 = arith.constant 0 : index
    %swap3A_123 = arith.constant 13 : index
    %swap3A_124 = arith.constant 0 : index
    %swap3A_125 = arith.constant 0 : index
    %swap3A_126 = vector.load %arg5[%swap3A_122, %swap3A_123, %swap3A_124, %swap3A_125] : memref<1x24x512x64xbf16, #tpu.memory_space<vmem>>, vector<1x1x512x64xbf16>
    %swap3A_127 = vector.shape_cast %swap3A_126 : vector<1x1x512x64xbf16> to vector<512x64xbf16>
    %swap3A_128 = vector.shape_cast %slice3A_121 : vector<512x64xbf16> to vector<1x1x512x64xbf16>
    tpu.vector_store %arg5[%swap3A_122, %swap3A_123, %swap3A_124, %swap3A_125], %swap3A_128 {strides = array<i32>} : memref<1x24x512x64xbf16, #tpu.memory_space<vmem>>, vector<1x1x512x64xbf16>,
    %slice3A_129 = vector.extract_strided_slice %convert_element_type3A_17 {offsets = [0, 896], sizes = [512, 64], strides = [1, 1]} : vector<512x1536xbf16> to vector<512x64xbf16>
    %swap3A_130 = arith.constant 0 : index
    %swap3A_131 = arith.constant 14 : index
    %swap3A_132 = arith.constant 0 : index
    %swap3A_133 = arith.constant 0 : index
    %swap3A_134 = vector.load %arg5[%swap3A_130, %swap3A_131, %swap3A_132, %swap3A_133] : memref<1x24x512x64xbf16, #tpu.memory_space<vmem>>, vector<1x1x512x64xbf16>
    %swap3A_135 = vector.shape_cast %swap3A_134 : vector<1x1x512x64xbf16> to vector<512x64xbf16>
    %swap3A_136 = vector.shape_cast %slice3A_129 : vector<512x64xbf16> to vector<1x1x512x64xbf16>
    tpu.vector_store %arg5[%swap3A_130, %swap3A_131, %swap3A_132, %swap3A_133], %swap3A_136 {strides = array<i32>} : memref<1x24x512x64xbf16, #tpu.memory_space<vmem>>, vector<1x1x512x64xbf16>,
    %slice3A_137 = vector.extract_strided_slice %convert_element_type3A_17 {offsets = [0, 960], sizes = [512, 64], strides = [1, 1]} : vector<512x1536xbf16> to vector<512x64xbf16>
    %swap3A_138 = arith.constant 0 : index
    %swap3A_139 = arith.constant 15 : index
    %swap3A_140 = arith.constant 0 : index
    %swap3A_141 = arith.constant 0 : index
    %swap3A_142 = vector.load %arg5[%swap3A_138, %swap3A_139, %swap3A_140, %swap3A_141] : memref<1x24x512x64xbf16, #tpu.memory_space<vmem>>, vector<1x1x512x64xbf16>
    %swap3A_143 = vector.shape_cast %swap3A_142 : vector<1x1x512x64xbf16> to vector<512x64xbf16>
    %swap3A_144 = vector.shape_cast %slice3A_137 : vector<512x64xbf16> to vector<1x1x512x64xbf16>
    tpu.vector_store %arg5[%swap3A_138, %swap3A_139, %swap3A_140, %swap3A_141], %swap3A_144 {strides = array<i32>} : memref<1x24x512x64xbf16, #tpu.memory_space<vmem>>, vector<1x1x512x64xbf16>,
    %slice3A_145 = vector.extract_strided_slice %convert_element_type3A_17 {offsets = [0, 1024], sizes = [512, 64], strides = [1, 1]} : vector<512x1536xbf16> to vector<512x64xbf16>
    %swap3A_146 = arith.constant 0 : index
    %swap3A_147 = arith.constant 16 : index
    %swap3A_148 = arith.constant 0 : index
    %swap3A_149 = arith.constant 0 : index
    %swap3A_150 = vector.load %arg5[%swap3A_146, %swap3A_147, %swap3A_148, %swap3A_149] : memref<1x24x512x64xbf16, #tpu.memory_space<vmem>>, vector<1x1x512x64xbf16>
    %swap3A_151 = vector.shape_cast %swap3A_150 : vector<1x1x512x64xbf16> to vector<512x64xbf16>
    %swap3A_152 = vector.shape_cast %slice3A_145 : vector<512x64xbf16> to vector<1x1x512x64xbf16>
    tpu.vector_store %arg5[%swap3A_146, %swap3A_147, %swap3A_148, %swap3A_149], %swap3A_152 {strides = array<i32>} : memref<1x24x512x64xbf16, #tpu.memory_space<vmem>>, vector<1x1x512x64xbf16>,
    %slice3A_153 = vector.extract_strided_slice %convert_element_type3A_17 {offsets = [0, 1088], sizes = [512, 64], strides = [1, 1]} : vector<512x1536xbf16> to vector<512x64xbf16>
    %swap3A_154 = arith.constant 0 : index
    %swap3A_155 = arith.constant 17 : index
    %swap3A_156 = arith.constant 0 : index
    %swap3A_157 = arith.constant 0 : index
    %swap3A_158 = vector.load %arg5[%swap3A_154, %swap3A_155, %swap3A_156, %swap3A_157] : memref<1x24x512x64xbf16, #tpu.memory_space<vmem>>, vector<1x1x512x64xbf16>
    %swap3A_159 = vector.shape_cast %swap3A_158 : vector<1x1x512x64xbf16> to vector<512x64xbf16>
    %swap3A_160 = vector.shape_cast %slice3A_153 : vector<512x64xbf16> to vector<1x1x512x64xbf16>
    tpu.vector_store %arg5[%swap3A_154, %swap3A_155, %swap3A_156, %swap3A_157], %swap3A_160 {strides = array<i32>} : memref<1x24x512x64xbf16, #tpu.memory_space<vmem>>, vector<1x1x512x64xbf16>,
    %slice3A_161 = vector.extract_strided_slice %convert_element_type3A_17 {offsets = [0, 1152], sizes = [512, 64], strides = [1, 1]} : vector<512x1536xbf16> to vector<512x64xbf16>
    %swap3A_162 = arith.constant 0 : index
    %swap3A_163 = arith.constant 18 : index
    %swap3A_164 = arith.constant 0 : index
    %swap3A_165 = arith.constant 0 : index
    %swap3A_166 = vector.load %arg5[%swap3A_162, %swap3A_163, %swap3A_164, %swap3A_165] : memref<1x24x512x64xbf16, #tpu.memory_space<vmem>>, vector<1x1x512x64xbf16>
    %swap3A_167 = vector.shape_cast %swap3A_166 : vector<1x1x512x64xbf16> to vector<512x64xbf16>
    %swap3A_168 = vector.shape_cast %slice3A_161 : vector<512x64xbf16> to vector<1x1x512x64xbf16>
    tpu.vector_store %arg5[%swap3A_162, %swap3A_163, %swap3A_164, %swap3A_165], %swap3A_168 {strides = array<i32>} : memref<1x24x512x64xbf16, #tpu.memory_space<vmem>>, vector<1x1x512x64xbf16>,
    %slice3A_169 = vector.extract_strided_slice %convert_element_type3A_17 {offsets = [0, 1216], sizes = [512, 64], strides = [1, 1]} : vector<512x1536xbf16> to vector<512x64xbf16>
    %swap3A_170 = arith.constant 0 : index
    %swap3A_171 = arith.constant 19 : index
    %swap3A_172 = arith.constant 0 : index
    %swap3A_173 = arith.constant 0 : index
    %swap3A_174 = vector.load %arg5[%swap3A_170, %swap3A_171, %swap3A_172, %swap3A_173] : memref<1x24x512x64xbf16, #tpu.memory_space<vmem>>, vector<1x1x512x64xbf16>
    %swap3A_175 = vector.shape_cast %swap3A_174 : vector<1x1x512x64xbf16> to vector<512x64xbf16>
    %swap3A_176 = vector.shape_cast %slice3A_169 : vector<512x64xbf16> to vector<1x1x512x64xbf16>
    tpu.vector_store %arg5[%swap3A_170, %swap3A_171, %swap3A_172, %swap3A_173], %swap3A_176 {strides = array<i32>} : memref<1x24x512x64xbf16, #tpu.memory_space<vmem>>, vector<1x1x512x64xbf16>,
    %slice3A_177 = vector.extract_strided_slice %convert_element_type3A_17 {offsets = [0, 1280], sizes = [512, 64], strides = [1, 1]} : vector<512x1536xbf16> to vector<512x64xbf16>
    %swap3A_178 = arith.constant 0 : index
    %swap3A_179 = arith.constant 20 : index
    %swap3A_180 = arith.constant 0 : index
    %swap3A_181 = arith.constant 0 : index
    %swap3A_182 = vector.load %arg5[%swap3A_178, %swap3A_179, %swap3A_180, %swap3A_181] : memref<1x24x512x64xbf16, #tpu.memory_space<vmem>>, vector<1x1x512x64xbf16>
    %swap3A_183 = vector.shape_cast %swap3A_182 : vector<1x1x512x64xbf16> to vector<512x64xbf16>
    %swap3A_184 = vector.shape_cast %slice3A_177 : vector<512x64xbf16> to vector<1x1x512x64xbf16>
    tpu.vector_store %arg5[%swap3A_178, %swap3A_179, %swap3A_180, %swap3A_181], %swap3A_184 {strides = array<i32>} : memref<1x24x512x64xbf16, #tpu.memory_space<vmem>>, vector<1x1x512x64xbf16>,
    %slice3A_185 = vector.extract_strided_slice %convert_element_type3A_17 {offsets = [0, 1344], sizes = [512, 64], strides = [1, 1]} : vector<512x1536xbf16> to vector<512x64xbf16>
    %swap3A_186 = arith.constant 0 : index
    %swap3A_187 = arith.constant 21 : index
    %swap3A_188 = arith.constant 0 : index
    %swap3A_189 = arith.constant 0 : index
    %swap3A_190 = vector.load %arg5[%swap3A_186, %swap3A_187, %swap3A_188, %swap3A_189] : memref<1x24x512x64xbf16, #tpu.memory_space<vmem>>, vector<1x1x512x64xbf16>
    %swap3A_191 = vector.shape_cast %swap3A_190 : vector<1x1x512x64xbf16> to vector<512x64xbf16>
    %swap3A_192 = vector.shape_cast %slice3A_185 : vector<512x64xbf16> to vector<1x1x512x64xbf16>
    tpu.vector_store %arg5[%swap3A_186, %swap3A_187, %swap3A_188, %swap3A_189], %swap3A_192 {strides = array<i32>} : memref<1x24x512x64xbf16, #tpu.memory_space<vmem>>, vector<1x1x512x64xbf16>,
    %slice3A_193 = vector.extract_strided_slice %convert_element_type3A_17 {offsets = [0, 1408], sizes = [512, 64], strides = [1, 1]} : vector<512x1536xbf16> to vector<512x64xbf16>
    %swap3A_194 = arith.constant 0 : index
    %swap3A_195 = arith.constant 22 : index
    %swap3A_196 = arith.constant 0 : index
    %swap3A_197 = arith.constant 0 : index
    %swap3A_198 = vector.load %arg5[%swap3A_194, %swap3A_195, %swap3A_196, %swap3A_197] : memref<1x24x512x64xbf16, #tpu.memory_space<vmem>>, vector<1x1x512x64xbf16>
    %swap3A_199 = vector.shape_cast %swap3A_198 : vector<1x1x512x64xbf16> to vector<512x64xbf16>
    %swap3A_200 = vector.shape_cast %slice3A_193 : vector<512x64xbf16> to vector<1x1x512x64xbf16>
    tpu.vector_store %arg5[%swap3A_194, %swap3A_195, %swap3A_196, %swap3A_197], %swap3A_200 {strides = array<i32>} : memref<1x24x512x64xbf16, #tpu.memory_space<vmem>>, vector<1x1x512x64xbf16>,
    %slice3A_201 = vector.extract_strided_slice %convert_element_type3A_17 {offsets = [0, 1472], sizes = [512, 64], strides = [1, 1]} : vector<512x1536xbf16> to vector<512x64xbf16>
    %swap3A_202 = arith.constant 0 : index
    %swap3A_203 = arith.constant 23 : index
    %swap3A_204 = arith.constant 0 : index
    %swap3A_205 = arith.constant 0 : index
    %swap3A_206 = vector.load %arg5[%swap3A_202, %swap3A_203, %swap3A_204, %swap3A_205] : memref<1x24x512x64xbf16, #tpu.memory_space<vmem>>, vector<1x1x512x64xbf16>
    %swap3A_207 = vector.shape_cast %swap3A_206 : vector<1x1x512x64xbf16> to vector<512x64xbf16>
    %swap3A_208 = vector.shape_cast %slice3A_201 : vector<512x64xbf16> to vector<1x1x512x64xbf16>
    tpu.vector_store %arg5[%swap3A_202, %swap3A_203, %swap3A_204, %swap3A_205], %swap3A_208 {strides = array<i32>} : memref<1x24x512x64xbf16, #tpu.memory_space<vmem>>, vector<1x1x512x64xbf16>,
    return
  }
  func.func @transform_0(%arg0: i32, %arg1: i32) -> (i32, i32, i32) {
    %c0_i32 = arith.constant 0 : i32
    %c0_i32_0 = arith.constant 0 : i32
    return %arg0, %arg1, %c0_i32 : i32, i32, i32
  }
  func.func @transform_1(%arg0: i32, %arg1: i32) -> (i32, i32) {
    %c0_i32 = arith.constant 0 : i32
    %c0_i32_0 = arith.constant 0 : i32
    %c0_i32_1 = arith.constant 0 : i32
    return %c0_i32, %c0_i32_0 : i32, i32
  }
  func.func @transform_2(%arg0: i32, %arg1: i32) -> (i32, i32) {
    %c0_i32 = arith.constant 0 : i32
    %c0_i32_0 = arith.constant 0 : i32
    %c0_i32_1 = arith.constant 0 : i32
    return %c0_i32, %c0_i32_0 : i32, i32
  }
  func.func @transform_3(%arg0: i32, %arg1: i32) -> (i32, i32, i32, i32) {
    %c0_i32 = arith.constant 0 : i32
    %c0_i32_0 = arith.constant 0 : i32
    %c0_i32_1 = arith.constant 0 : i32
    return %arg0, %c0_i32, %arg1, %c0_i32_0 : i32, i32, i32, i32
  }
  func.func @transform_4(%arg0: i32, %arg1: i32) -> (i32, i32, i32) {
    %c0_i32 = arith.constant 0 : i32
    %c0_i32_0 = arith.constant 0 : i32
    return %arg0, %arg1, %c0_i32 : i32, i32, i32
  }
}

module attributes {stable_mosaic.version = 14 : i64} {
  func.func @_head_body(%arg0: i32, %arg1: i32, %arg2: memref<1x416x768xbf16, #tpu.memory_space<vmem>>, %arg3: memref<128x768xbf16, #tpu.memory_space<vmem>>, %arg4: memref<2x1x64xf32, #tpu.memory_space<vmem>>, %arg5: memref<1x2x4096x64xbf16, #tpu.memory_space<vmem>>, %arg6: memref<1x2x4096x64xbf16, #tpu.memory_space<vmem>>, %arg7: memref<768x128xbf16, #tpu.memory_space<vmem>>, %arg8: memref<1x1x768xf32, #tpu.memory_space<vmem>>, %arg9: memref<1x1x416xi32, #tpu.memory_space<smem>>, %arg10: memref<8192x768xf32, #tpu.memory_space<any>>, %arg11: memref<8192x768xf32, #tpu.memory_space<any>>, %arg12: memref<416x768xf32, #tpu.memory_space<vmem>>, %arg13: memref<!tpu.dma_semaphore, #tpu.memory_space<semaphore_mem>>) attributes {dimension_semantics = [#tpu.dimension_semantics<arbitrary>, #tpu.dimension_semantics<arbitrary>], iteration_bounds = array<i64: 2, 6>, scalar_prefetch = 0 : i64, scratch_operands = 2 : i64, tpu.core_type = #tpu.core_type<tc>, window_params = [{transform_indices = @transform_0, window_bounds = array<i64: 1, 416, 768>}, {transform_indices = @transform_1, window_bounds = array<i64: 128, 768>}, {transform_indices = @transform_2, window_bounds = array<i64: 2, 1, 64>}, {transform_indices = @transform_3, window_bounds = array<i64: 1, 2, 4096, 64>}, {transform_indices = @transform_4, window_bounds = array<i64: 1, 2, 4096, 64>}, {transform_indices = @transform_5, window_bounds = array<i64: 768, 128>}, {pipeline_mode = #tpu.pipeline_mode<synchronous>, transform_indices = @transform_6, window_bounds = array<i64: 1, 1, 768>}, {transform_indices = @transform_7, window_bounds = array<i64: 1, 1, 416>}, {}, {}]} {
    %get3A = arith.constant 0 : index
    %get3A_0 = arith.constant 0 : index
    %get3A_1 = arith.constant 0 : index
    %get3A_2 = vector.load %arg2[%get3A, %get3A_0, %get3A_1] : memref<1x416x768xbf16, #tpu.memory_space<vmem>>, vector<1x416x768xbf16>
    %get3A_3 = vector.shape_cast %get3A_2 : vector<1x416x768xbf16> to vector<416x768xbf16>
    %get3A_4 = arith.constant 0 : index
    %get3A_5 = arith.constant 0 : index
    %get3A_6 = vector.load %arg3[%get3A_4, %get3A_5] : memref<128x768xbf16, #tpu.memory_space<vmem>>, vector<64x768xbf16>
    %dot_general3A = arith.constant dense<0.000000e+00> : vector<416x64xf32>
    %dot_general3A_7 = tpu.matmul %get3A_3, %get3A_6, %dot_general3A {dimension_numbers = #tpu.dot_dimension_numbers<[1], [1], [0], [0], [0, 0, 1, 0], [], []>, transpose_lhs_hint = false} : vector<416x768xbf16>, vector<64x768xbf16>, vector<416x64xf32> -> vector<416x64xf32>
    %get3A_8 = arith.constant 0 : index
    %get3A_9 = arith.constant 0 : index
    %get3A_10 = arith.constant 0 : index
    %get3A_11 = vector.load %arg4[%get3A_8, %get3A_9, %get3A_10] : memref<2x1x64xf32, #tpu.memory_space<vmem>>, vector<1x1x64xf32>
    %get3A_12 = vector.shape_cast %get3A_11 : vector<1x1x64xf32> to vector<1x64xf32>
    %add3A = vector.broadcast %get3A_12 : vector<1x64xf32> to vector<416x64xf32>
    %add3A_13 = arith.addf %dot_general3A_7, %add3A : vector<416x64xf32>
    %convert_element_type3A = arith.truncf %add3A_13 : vector<416x64xf32> to vector<416x64xbf16>
    %get3A_14 = arith.constant 0 : index
    %get3A_15 = arith.constant 0 : index
    %get3A_16 = arith.constant 0 : index
    %get3A_17 = arith.constant 0 : index
    %get3A_18 = vector.load %arg5[%get3A_14, %get3A_15, %get3A_16, %get3A_17] : memref<1x2x4096x64xbf16, #tpu.memory_space<vmem>>, vector<1x1x4096x64xbf16>
    %get3A_19 = vector.shape_cast %get3A_18 : vector<1x1x4096x64xbf16> to vector<4096x64xbf16>
    %get3A_20 = arith.constant 0 : index
    %get3A_21 = arith.constant 0 : index
    %get3A_22 = arith.constant 0 : index
    %get3A_23 = arith.constant 0 : index
    %get3A_24 = vector.load %arg6[%get3A_20, %get3A_21, %get3A_22, %get3A_23] : memref<1x2x4096x64xbf16, #tpu.memory_space<vmem>>, vector<1x1x4096x64xbf16>
    %get3A_25 = vector.shape_cast %get3A_24 : vector<1x1x4096x64xbf16> to vector<4096x64xbf16>
    %dot_general3A_26 = arith.constant dense<0.000000e+00> : vector<416x4096xf32>
    %dot_general3A_27 = tpu.matmul %convert_element_type3A, %get3A_19, %dot_general3A_26 {dimension_numbers = #tpu.dot_dimension_numbers<[1], [1], [0], [0], [0, 0, 1, 0], [], []>, transpose_lhs_hint = false} : vector<416x64xbf16>, vector<4096x64xbf16>, vector<416x4096xf32> -> vector<416x4096xf32>
    %mul3A = arith.constant 1.250000e-01 : f32
    %mul3A_28 = vector.broadcast %mul3A : f32 to vector<416x4096xf32>
    %mul3A_29 = arith.mulf %dot_general3A_27, %mul3A_28 : vector<416x4096xf32>
    %reduce_max3A = arith.constant dense<0xFF800000> : vector<416xf32>
    %reduce_max3A_30 = vector.multi_reduction <maximumf>, %mul3A_29, %reduce_max3A [1] : vector<416x4096xf32> to vector<416xf32>
    %broadcast_in_dim3A = vector.shape_cast %reduce_max3A_30 : vector<416xf32> to vector<416x1xf32>
    %sub3A = vector.broadcast %broadcast_in_dim3A : vector<416x1xf32> to vector<416x4096xf32>
    %sub3A_31 = arith.subf %mul3A_29, %sub3A : vector<416x4096xf32>
    %exp3A = math.exp %sub3A_31 : vector<416x4096xf32>
    %reduce_sum3A = arith.constant dense<0.000000e+00> : vector<416xf32>
    %reduce_sum3A_32 = vector.multi_reduction <add>, %exp3A, %reduce_sum3A [1] : vector<416x4096xf32> to vector<416xf32>
    %broadcast_in_dim3A_33 = vector.shape_cast %reduce_sum3A_32 : vector<416xf32> to vector<416x1xf32>
    %convert_element_type3A_34 = arith.truncf %exp3A : vector<416x4096xf32> to vector<416x4096xbf16>
    %dot_general3A_35 = arith.constant dense<0.000000e+00> : vector<416x64xf32>
    %dot_general3A_36 = tpu.matmul %convert_element_type3A_34, %get3A_25, %dot_general3A_35 {dimension_numbers = #tpu.dot_dimension_numbers<[1], [0], [0], [1], [0, 0, 1, 1], [], []>, transpose_lhs_hint = false} : vector<416x4096xbf16>, vector<4096x64xbf16>, vector<416x64xf32> -> vector<416x64xf32>
    %div3A = vector.broadcast %broadcast_in_dim3A_33 : vector<416x1xf32> to vector<416x64xf32>
    %div3A_37 = arith.divf %dot_general3A_36, %div3A : vector<416x64xf32>
    %convert_element_type3A_38 = arith.truncf %div3A_37 : vector<416x64xf32> to vector<416x64xbf16>
    %get3A_39 = arith.constant 0 : index
    %get3A_40 = arith.constant 0 : index
    %get3A_41 = vector.load %arg7[%get3A_39, %get3A_40] : memref<768x128xbf16, #tpu.memory_space<vmem>>, vector<768x64xbf16>
    %dot_general3A_42 = arith.constant dense<0.000000e+00> : vector<416x768xf32>
    %dot_general3A_43 = tpu.matmul %convert_element_type3A_38, %get3A_41, %dot_general3A_42 {dimension_numbers = #tpu.dot_dimension_numbers<[1], [1], [0], [0], [0, 0, 1, 0], [], []>, transpose_lhs_hint = false} : vector<416x64xbf16>, vector<768x64xbf16>, vector<416x768xf32> -> vector<416x768xf32>
    %get3A_44 = arith.constant 0 : index
    %get3A_45 = arith.constant 0 : index
    %get3A_46 = arith.constant 0 : index
    %get3A_47 = vector.load %arg2[%get3A_44, %get3A_45, %get3A_46] : memref<1x416x768xbf16, #tpu.memory_space<vmem>>, vector<1x416x768xbf16>
    %get3A_48 = vector.shape_cast %get3A_47 : vector<1x416x768xbf16> to vector<416x768xbf16>
    %get3A_49 = arith.constant 64 : index
    %get3A_50 = arith.constant 0 : index
    %get3A_51 = vector.load %arg3[%get3A_49, %get3A_50] : memref<128x768xbf16, #tpu.memory_space<vmem>>, vector<64x768xbf16>
    %dot_general3A_52 = arith.constant dense<0.000000e+00> : vector<416x64xf32>
    %dot_general3A_53 = tpu.matmul %get3A_48, %get3A_51, %dot_general3A_52 {dimension_numbers = #tpu.dot_dimension_numbers<[1], [1], [0], [0], [0, 0, 1, 0], [], []>, transpose_lhs_hint = false} : vector<416x768xbf16>, vector<64x768xbf16>, vector<416x64xf32> -> vector<416x64xf32>
    %get3A_54 = arith.constant 1 : index
    %get3A_55 = arith.constant 0 : index
    %get3A_56 = arith.constant 0 : index
    %get3A_57 = vector.load %arg4[%get3A_54, %get3A_55, %get3A_56] : memref<2x1x64xf32, #tpu.memory_space<vmem>>, vector<1x1x64xf32>
    %get3A_58 = vector.shape_cast %get3A_57 : vector<1x1x64xf32> to vector<1x64xf32>
    %add3A_59 = vector.broadcast %get3A_58 : vector<1x64xf32> to vector<416x64xf32>
    %add3A_60 = arith.addf %dot_general3A_53, %add3A_59 : vector<416x64xf32>
    %convert_element_type3A_61 = arith.truncf %add3A_60 : vector<416x64xf32> to vector<416x64xbf16>
    %get3A_62 = arith.constant 0 : index
    %get3A_63 = arith.constant 1 : index
    %get3A_64 = arith.constant 0 : index
    %get3A_65 = arith.constant 0 : index
    %get3A_66 = vector.load %arg5[%get3A_62, %get3A_63, %get3A_64, %get3A_65] : memref<1x2x4096x64xbf16, #tpu.memory_space<vmem>>, vector<1x1x4096x64xbf16>
    %get3A_67 = vector.shape_cast %get3A_66 : vector<1x1x4096x64xbf16> to vector<4096x64xbf16>
    %get3A_68 = arith.constant 0 : index
    %get3A_69 = arith.constant 1 : index
    %get3A_70 = arith.constant 0 : index
    %get3A_71 = arith.constant 0 : index
    %get3A_72 = vector.load %arg6[%get3A_68, %get3A_69, %get3A_70, %get3A_71] : memref<1x2x4096x64xbf16, #tpu.memory_space<vmem>>, vector<1x1x4096x64xbf16>
    %get3A_73 = vector.shape_cast %get3A_72 : vector<1x1x4096x64xbf16> to vector<4096x64xbf16>
    %dot_general3A_74 = arith.constant dense<0.000000e+00> : vector<416x4096xf32>
    %dot_general3A_75 = tpu.matmul %convert_element_type3A_61, %get3A_67, %dot_general3A_74 {dimension_numbers = #tpu.dot_dimension_numbers<[1], [1], [0], [0], [0, 0, 1, 0], [], []>, transpose_lhs_hint = false} : vector<416x64xbf16>, vector<4096x64xbf16>, vector<416x4096xf32> -> vector<416x4096xf32>
    %mul3A_76 = arith.constant 1.250000e-01 : f32
    %mul3A_77 = vector.broadcast %mul3A_76 : f32 to vector<416x4096xf32>
    %mul3A_78 = arith.mulf %dot_general3A_75, %mul3A_77 : vector<416x4096xf32>
    %reduce_max3A_79 = arith.constant dense<0xFF800000> : vector<416xf32>
    %reduce_max3A_80 = vector.multi_reduction <maximumf>, %mul3A_78, %reduce_max3A_79 [1] : vector<416x4096xf32> to vector<416xf32>
    %broadcast_in_dim3A_81 = vector.shape_cast %reduce_max3A_80 : vector<416xf32> to vector<416x1xf32>
    %sub3A_82 = vector.broadcast %broadcast_in_dim3A_81 : vector<416x1xf32> to vector<416x4096xf32>
    %sub3A_83 = arith.subf %mul3A_78, %sub3A_82 : vector<416x4096xf32>
    %exp3A_84 = math.exp %sub3A_83 : vector<416x4096xf32>
    %reduce_sum3A_85 = arith.constant dense<0.000000e+00> : vector<416xf32>
    %reduce_sum3A_86 = vector.multi_reduction <add>, %exp3A_84, %reduce_sum3A_85 [1] : vector<416x4096xf32> to vector<416xf32>
    %broadcast_in_dim3A_87 = vector.shape_cast %reduce_sum3A_86 : vector<416xf32> to vector<416x1xf32>
    %convert_element_type3A_88 = arith.truncf %exp3A_84 : vector<416x4096xf32> to vector<416x4096xbf16>
    %dot_general3A_89 = arith.constant dense<0.000000e+00> : vector<416x64xf32>
    %dot_general3A_90 = tpu.matmul %convert_element_type3A_88, %get3A_73, %dot_general3A_89 {dimension_numbers = #tpu.dot_dimension_numbers<[1], [0], [0], [1], [0, 0, 1, 1], [], []>, transpose_lhs_hint = false} : vector<416x4096xbf16>, vector<4096x64xbf16>, vector<416x64xf32> -> vector<416x64xf32>
    %div3A_91 = vector.broadcast %broadcast_in_dim3A_87 : vector<416x1xf32> to vector<416x64xf32>
    %div3A_92 = arith.divf %dot_general3A_90, %div3A_91 : vector<416x64xf32>
    %convert_element_type3A_93 = arith.truncf %div3A_92 : vector<416x64xf32> to vector<416x64xbf16>
    %get3A_94 = arith.constant 0 : index
    %get3A_95 = arith.constant 64 : index
    %get3A_96 = vector.load %arg7[%get3A_94, %get3A_95] : memref<768x128xbf16, #tpu.memory_space<vmem>>, vector<768x64xbf16>
    %dot_general3A_97 = arith.constant dense<0.000000e+00> : vector<416x768xf32>
    %dot_general3A_98 = tpu.matmul %convert_element_type3A_93, %get3A_96, %dot_general3A_97 {dimension_numbers = #tpu.dot_dimension_numbers<[1], [1], [0], [0], [0, 0, 1, 0], [], []>, transpose_lhs_hint = false} : vector<416x64xbf16>, vector<768x64xbf16>, vector<416x768xf32> -> vector<416x768xf32>
    %add3A_99 = arith.addf %dot_general3A_43, %dot_general3A_98 : vector<416x768xf32>
    %eq3A = arith.constant 0 : i32
    %eq3A_100 = arith.cmpi eq, %arg1, %eq3A : i32
    %convert_element_type3A_101 = arith.extui %eq3A_100 : i1 to i32
    %cond3A = arith.constant 0 : i32
    %cond3A_102 = arith.cmpi ne, %convert_element_type3A_101, %cond3A : i32
    scf.if %cond3A_102 {
      %get3A_112 = arith.constant 0 : index
      %get3A_113 = arith.constant 0 : index
      %get3A_114 = arith.constant 0 : index
      %get3A_115 = vector.load %arg8[%get3A_112, %get3A_113, %get3A_114] : memref<1x1x768xf32, #tpu.memory_space<vmem>>, vector<1x1x768xf32>
      %get3A_116 = vector.shape_cast %get3A_115 : vector<1x1x768xf32> to vector<1x768xf32>
      %add3A_117 = vector.broadcast %get3A_116 : vector<1x768xf32> to vector<416x768xf32>
      %add3A_118 = arith.addf %add3A_99, %add3A_117 : vector<416x768xf32>
      %swap3A = arith.constant 0 : index
      %swap3A_119 = arith.constant 0 : index
      %swap3A_120 = vector.load %arg12[%swap3A, %swap3A_119] : memref<416x768xf32, #tpu.memory_space<vmem>>, vector<416x768xf32>
      tpu.vector_store %arg12[%swap3A, %swap3A_119], %add3A_118 {strides = array<i32>} : memref<416x768xf32, #tpu.memory_space<vmem>>, vector<416x768xf32>,
    } else {
    }
    %ne3A = arith.constant 0 : i32
    %ne3A_103 = arith.cmpi ne, %arg1, %ne3A : i32
    %convert_element_type3A_104 = arith.extui %ne3A_103 : i1 to i32
    %cond3A_105 = arith.constant 0 : i32
    %cond3A_106 = arith.cmpi ne, %convert_element_type3A_104, %cond3A_105 : i32
    scf.if %cond3A_106 {
      %get3A_112 = arith.constant 0 : index
      %get3A_113 = arith.constant 0 : index
      %get3A_114 = vector.load %arg12[%get3A_112, %get3A_113] : memref<416x768xf32, #tpu.memory_space<vmem>>, vector<416x768xf32>
      %add3A_115 = arith.addf %get3A_114, %add3A_99 : vector<416x768xf32>
      %swap3A = arith.constant 0 : index
      %swap3A_116 = arith.constant 0 : index
      %swap3A_117 = vector.load %arg12[%swap3A, %swap3A_116] : memref<416x768xf32, #tpu.memory_space<vmem>>, vector<416x768xf32>
      tpu.vector_store %arg12[%swap3A, %swap3A_116], %add3A_115 {strides = array<i32>} : memref<416x768xf32, #tpu.memory_space<vmem>>, vector<416x768xf32>,
    } else {
    }
    %eq3A_107 = arith.constant 5 : i32
    %eq3A_108 = arith.cmpi eq, %arg1, %eq3A_107 : i32
    %convert_element_type3A_109 = arith.extui %eq3A_108 : i1 to i32
    %cond3A_110 = arith.constant 0 : i32
    %cond3A_111 = arith.cmpi ne, %convert_element_type3A_109, %cond3A_110 : i32
    scf.if %cond3A_111 {
      %scan3A = arith.constant 0 : i32
      %scan3A_112 = arith.constant 409 : i32
      %scan3A_113 = arith.addi %scan3A, %scan3A_112 : i32
      %scan3A_114 = arith.constant 1 : i32
      scf.for %scan3A_121 = %scan3A to %scan3A_113 step %scan3A_114  : i32 {
        %get3A_122 = arith.constant 0 : index
        %get3A_123 = arith.constant 0 : index
        %get3A_124 = arith.index_cast %scan3A_121 : i32 to index
        %get3A_125 = memref.load %arg9[%get3A_122, %get3A_123, %get3A_124] : memref<1x1x416xi32, #tpu.memory_space<smem>>
        %dma_start3A = arith.constant 0 : i32
        %dma_start3A_126 = tpu.memref_slice %arg11[%get3A_125, %dma_start3A] : memref<8192x768xf32, #tpu.memory_space<any>> -> memref<1x768xf32, #tpu.memory_space<any>>
        %dma_start3A_127 = arith.constant 0 : i32
        %dma_start3A_128 = tpu.memref_slice %arg12[%scan3A_121, %dma_start3A_127] : memref<416x768xf32, #tpu.memory_space<vmem>> -> memref<1x768xf32, #tpu.memory_space<vmem>>
        tpu.enqueue_dma source(%dma_start3A_128 : memref<1x768xf32, #tpu.memory_space<vmem>>) target(%dma_start3A_126 : memref<1x768xf32, #tpu.memory_space<any>>) target_semaphore(%arg13 : memref<!tpu.dma_semaphore, #tpu.memory_space<semaphore_mem>>)
      }
      %scan3A_115 = arith.constant 409 : i32
      %scan3A_116 = arith.constant 0 : i32
      %scan3A_117 = arith.constant 409 : i32
      %scan3A_118 = arith.addi %scan3A_116, %scan3A_117 : i32
      %scan3A_119 = arith.constant 1 : i32
      scf.for %scan3A_121 = %scan3A_116 to %scan3A_118 step %scan3A_119  : i32 {
        %dma_wait3A = arith.constant 0 : i32
        %dma_wait3A_122 = arith.constant 0 : i32
        %dma_wait3A_123 = tpu.memref_slice %arg11[%dma_wait3A, %dma_wait3A_122] : memref<8192x768xf32, #tpu.memory_space<any>> -> memref<1x768xf32, #tpu.memory_space<any>>
        %dma_wait3A_124 = arith.constant 0 : i32
        %dma_wait3A_125 = tpu.memref_slice %arg12[%scan3A_121, %dma_wait3A_124] : memref<416x768xf32, #tpu.memory_space<vmem>> -> memref<1x768xf32, #tpu.memory_space<vmem>>
        tpu.wait_dma2 semaphore(%arg13 : memref<!tpu.dma_semaphore, #tpu.memory_space<semaphore_mem>>) src(%dma_wait3A_125 : memref<1x768xf32, #tpu.memory_space<vmem>>) dst(%dma_wait3A_123 : memref<1x768xf32, #tpu.memory_space<any>>)
      }
      %scan3A_120 = arith.constant 409 : i32
    } else {
    }
    return
  }
  func.func @transform_0(%arg0: i32, %arg1: i32) -> (i32, i32, i32) {
    %c0_i32 = arith.constant 0 : i32
    %c0_i32_0 = arith.constant 0 : i32
    %c0_i32_1 = arith.constant 0 : i32
    return %arg0, %c0_i32, %c0_i32_0 : i32, i32, i32
  }
  func.func @transform_1(%arg0: i32, %arg1: i32) -> (i32, i32) {
    %c0_i32 = arith.constant 0 : i32
    %c0_i32_0 = arith.constant 0 : i32
    return %arg1, %c0_i32 : i32, i32
  }
  func.func @transform_2(%arg0: i32, %arg1: i32) -> (i32, i32, i32) {
    %c0_i32 = arith.constant 0 : i32
    %c0_i32_0 = arith.constant 0 : i32
    %c0_i32_1 = arith.constant 0 : i32
    return %arg1, %c0_i32, %c0_i32_0 : i32, i32, i32
  }
  func.func @transform_3(%arg0: i32, %arg1: i32) -> (i32, i32, i32, i32) {
    %c0_i32 = arith.constant 0 : i32
    %c0_i32_0 = arith.constant 0 : i32
    %c0_i32_1 = arith.constant 0 : i32
    return %arg0, %arg1, %c0_i32, %c0_i32_0 : i32, i32, i32, i32
  }
  func.func @transform_4(%arg0: i32, %arg1: i32) -> (i32, i32, i32, i32) {
    %add3A = arith.constant 6 : i32
    %add3A_0 = arith.addi %add3A, %arg1 : i32
    %c0_i32 = arith.constant 0 : i32
    %c0_i32_1 = arith.constant 0 : i32
    %c0_i32_2 = arith.constant 0 : i32
    return %arg0, %add3A_0, %c0_i32, %c0_i32_1 : i32, i32, i32, i32
  }
  func.func @transform_5(%arg0: i32, %arg1: i32) -> (i32, i32) {
    %c0_i32 = arith.constant 0 : i32
    %c0_i32_0 = arith.constant 0 : i32
    return %c0_i32, %arg1 : i32, i32
  }
  func.func @transform_6(%arg0: i32, %arg1: i32) -> (i32, i32, i32) {
    %c0_i32 = arith.constant 0 : i32
    %c0_i32_0 = arith.constant 0 : i32
    %c0_i32_1 = arith.constant 0 : i32
    %c0_i32_2 = arith.constant 0 : i32
    return %c0_i32, %c0_i32_0, %c0_i32_1 : i32, i32, i32
  }
  func.func @transform_7(%arg0: i32, %arg1: i32) -> (i32, i32, i32) {
    %c0_i32 = arith.constant 0 : i32
    %c0_i32_0 = arith.constant 0 : i32
    %c0_i32_1 = arith.constant 0 : i32
    return %arg0, %c0_i32, %c0_i32_0 : i32, i32, i32
  }
}

</mosaic_0001>

<sc_bundles>
// kernel: kernel.6.cloned.1.call-start
scs
__scs_entry_jumppad:
0x0: {  	(pc) =	sbr.rel $0x88, $3  }
0x1: {  	(tag) =	ssettag $0x0;
	lr =	simm.s32 $0x1  }
0x2: {  	[smem:$0x3F99] =	sst lr;
	_ =	strace $0xD0000000  }
0x3: {  	_ = 	snop  }
0x4: {  	_ = 	snop  }
0x5: {  	_ = 	snop  }
0x6: {  	_ = 	snop  }
0x7: {  	_ = 	snop  }
__scs_overlays_trampoline_lowered:
0x8: {  	[smem:$0x3FA8] =	sst s0  }
0x9: {  	[smem:$0x3FA9] =	sst s1  }
0xa: {  	[smem:$0x3FAA] =	sst s2  }
0xb: {  	[smem:$0x3FAB] =	sst s3  }
0xc: {  	[smem:$0x3FAC] =	sst s4  }
0xd: {  	[smem:$0x3FAD] =	sst s5  }
0xe: {  	[smem:$0x3FAE] =	sst s6  }
0xf: {  	[smem:$0x3FAF] =	sst s7  }
0x10: {  	[smem:$0x3FB0] =	sst s8  }
0x11: {  	[smem:$0x3FB1] =	sst s9;
	s0 =	simm.s32 @!p0 $0x0  }
0x12: {  	s1 =	sld [smem:$0x3F97];
	s0 =	simm.s32 @p0 $0x1  }
0x13: {  	[smem:$0x3FB2] =	sst s0;
	s0 =	simm.s32 @!p1 $0x0  }
0x14: {  	s2 =	sld [smem:$0x3F96];
	s0 =	simm.s32 @p1 $0x1  }
0x15: {  	[smem:$0x3FB3] =	sst s0;
	s0 =	simm.s32 @!p2 $0x0  }
0x16: {  	s3 =	sld [smem:$0x3FDB];
	s0 =	simm.s32 @p2 $0x1  }
0x17: {  	s4 =	simm.s32 $0x1BF5;
	[smem:$0x3FB5] =	sst s0  }
0x18: {  	s0 =	sld [smem:$0x3F98];
	_ =	swait.ge [sflag:s4], $0x0  }
0x19: {  	s7 =	sld [smem:$0x3F99]  }
0x1a: {  	s8 =	sadd.s32 $0xFFFFE003, lr  }
0x1b: {  	s9 =	sadd.s32 $0xFFFFFEF7, lr;
	s5 =	simm.s32 $0xFFFFFFFF;
	p2 =	slt.u32 s8, $0xFFFFF086  }
0x1c: {  	p1 =	slt.u32 s9, $0xF7A;
	s5 =	simm.s32 @!p2 $0x0  }
0x1d: {  	s5 =	simm.s32 @p1 $0x1;
	p0 =	seq.s32 s7, s2  }
0x1e: {  	s7 =	smul.u32 @!p0 $0xF7A, s2;
	p2 =	seq.s32 @!p0 s5, $0x0  }
0x1f: {  	s9 =	smul.u32 $0xF7A, s1;
	s8 =	simm.s32 @!p0 $0x1BF5;
	p2 =	por !p2, p0  }
0x20: {  	[sflag:s8] =	ssyncset.s32 @!p0 $0xFFFFF086;
	s6 =	sadd.s32 @!p0 s3, s7;
	s7 =	simm.s32 @!p0 $0x108  }
0x21: {  	s3 =	sadd.s32 s3, s9;
	s6 =	sadd.s32 @!p0 $0x88, s6;
	s7 =	simm.s32 @p2 $0x1082  }
0x22: {  	[simem:s7], [sflag:s8] =	dma.local @!p0 [hbm:s6], $0xF7A  }
0x23: {  	s9 =	sor.u32 $0xD0000000, s2;
	s6 =	simm.s32 $0x108;
	_ =	swait.ge @!p0 [sflag:s8], $0x0  }
0x24: {  	s3 =	sadd.s32 $0x88, s3;
	s6 =	simm.s32 @!p1 $0x1082;
	[sflag:s4] =	ssyncset.s32 $0xFFFFF086  }
0x25: {  	[simem:s6], [sflag:s4] =	dma.local [hbm:s3], $0xF7A  }
0x26: {  	[smem:$0x3F99] =	sst s1;
	(tag) =	ssettag s2;
	_ =	strace s9  }
0x27: {  	s1 =	sld [smem:$0x3FA9]  }
0x28: {  	s2 =	sld [smem:$0x3FAA]  }
0x29: {  	s4 =	sld [smem:$0x3FAC]  }
0x2a: {  	p0 =	seq.s32 s5, $0x0;
	s5 =	sld [smem:$0x3FAD]  }
0x2b: {  	s6 =	sld [smem:$0x3FAE]  }
0x2c: {  	s7 =	sld [smem:$0x3FAF]  }
0x2d: {  	s3 =	simm.s32 $0x108;
	s8 =	sld [smem:$0x3FB0]  }
0x2e: {  	s3 =	simm.s32 @!p0 $0x1082;
	s9 =	sld [smem:$0x3FB1]  }
0x2f: {  	lr =	sadd.s32 s0, s3;
	s0 =	sld [smem:$0x3FA8]  }
0x30: {  	s3 =	sld [smem:$0x3FAB]  }
0x31: {  	[smem:$0x3FB4] =	sst s10  }
0x32: {  	s10 =	sld [smem:$0x3FB2];
	_ =	sdelay $0x3  }
0x33: {  	p0 =	seq.s32 s10, $0x1;
	s10 =	sld [smem:$0x3FB4];
	_ =	sdelay $0x3  }
0x34: {  	[smem:$0x3FB4] =	sst s10  }
0x35: {  	s10 =	sld [smem:$0x3FB3];
	_ =	sdelay $0x3  }
0x36: {  	p1 =	seq.s32 s10, $0x1;
	s10 =	sld [smem:$0x3FB4];
	_ =	sdelay $0x3  }
0x37: {  	[smem:$0x3FB4] =	sst s10  }
0x38: {  	s10 =	sld [smem:$0x3FB5]  }
0x39: {  	_ = 	snop;
	(pc) =	sbr.ind lr, $3  }
0x3a: {  	_ = 	snop  }
0x3b: {  	_ = 	snop  }
0x3c: {  	p2 =	seq.s32 s10, $0x1;
	s10 =	sld [smem:$0x3FB4]  }
0x3d: {  	_ =	shalt  }
0x3e: {  	_ =	shalt  }
0x3f: {  	_ =	shalt  }
0x40: {  	_ =	shalt  }
0x41: {  	_ =	shalt  }
0x42: {  	_ =	shalt  }
0x43: {  	_ =	shalt  }
0x44: {  	_ =	shalt  }
0x45: {  	_ =	shalt  }
0x46: {  	_ =	shalt  }
0x47: {  	_ =	shalt  }
0x48: {  	_ =	shalt  }
0x49: {  	_ =	shalt  }
0x4a: {  	_ =	shalt  }
0x4b: {  	_ =	shalt  }
0x4c: {  	_ =	shalt  }
0x4d: {  	_ =	shalt  }
0x4e: {  	_ =	shalt  }
0x4f: {  	_ =	shalt  }
0x50: {  	_ =	shalt  }
0x51: {  	_ =	shalt  }
0x52: {  	_ =	shalt  }
0x53: {  	_ =	shalt  }
0x54: {  	_ =	shalt  }
0x55: {  	_ =	shalt  }
0x56: {  	_ =	shalt  }
0x57: {  	_ =	shalt  }
0x58: {  	_ =	shalt  }
0x59: {  	_ =	shalt  }
0x5a: {  	_ =	shalt  }
0x5b: {  	_ =	shalt  }
0x5c: {  	_ =	shalt  }
0x5d: {  	_ =	shalt  }
0x5e: {  	_ =	shalt  }
0x5f: {  	_ =	shalt  }
0x60: {  	_ =	shalt  }
0x61: {  	_ =	shalt  }
0x62: {  	_ =	shalt  }
0x63: {  	_ =	shalt  }
0x64: {  	_ =	shalt  }
0x65: {  	_ =	shalt  }
0x66: {  	_ =	shalt  }
0x67: {  	_ =	shalt  }
0x68: {  	_ =	shalt  }
0x69: {  	_ =	shalt  }
0x6a: {  	_ =	shalt  }
0x6b: {  	_ =	shalt  }
0x6c: {  	_ =	shalt  }
0x6d: {  	_ =	shalt  }
0x6e: {  	_ =	shalt  }
0x6f: {  	_ =	shalt  }
0x70: {  	_ =	shalt  }
0x71: {  	_ =	shalt  }
0x72: {  	_ =	shalt  }
0x73: {  	_ =	shalt  }
0x74: {  	_ =	shalt  }
0x75: {  	_ =	shalt  }
0x76: {  	_ =	shalt  }
0x77: {  	_ =	shalt  }
0x78: {  	_ =	shalt  }
0x79: {  	_ =	shalt  }
0x7a: {  	_ =	shalt  }
0x7b: {  	_ =	shalt  }
0x7c: {  	_ =	shalt  }
0x7d: {  	_ =	shalt  }
0x7e: {  	_ =	shalt  }
0x7f: {  	_ =	shalt  }
0x80: {  	_ =	shalt  }
0x81: {  	_ =	shalt  }
0x82: {  	_ =	shalt  }
0x83: {  	_ =	shalt  }
0x84: {  	_ =	shalt  }
0x85: {  	_ =	shalt  }
0x86: {  	_ =	shalt  }
0x87: {  	_ =	shalt  }
.Lfunc_end0:
.L_simem_size_0:
called_computation_lowered:
.L_overlay_start_0:
0x88: {  	s2 =	sld [smem:$0x3FD9]  }
0x89: {  	s3 =	sld [smem:$0x3FFE];
	_ =	sdelay $0x1  }
0x8a: {  	s1 =	srdreg.scid  }
0x8b: {  	s0 =	sand.u32 $0x1, s1  }
0x8c: {  	s17 =	sshll.u32 s0, $0xA;
	s2 =	sadd.s32 s3, s2  }
0x8d: {  	s2 =	sadd.s32 s2, s17  }
0x8e: {  	[smem:$0x3FC0] =	sst s2  }
0x8f: {  	_ = 	snop  }
0x90: {  	s2 =	sld [smem:$0x3FC9];
	(tm) =	ssettm $0x1  }
0x91: {  	s18 =	sld [smem:$0x3FFB];
	_ =	sdelay $0x3  }
0x92: {  	_ =	strace s18  }
0x93: {  	s3 =	sld [smem:$0x3FFC];
	_ =	sdelay $0x3  }
0x94: {  	_ =	strace s3  }
0x95: {  	s3 =	sld [smem:$0x3FFD];
	_ =	sdelay $0x3  }
0x96: {  	_ =	strace s3  }
0x97: {  	_ =	strace $0x8FFFFFFF  }
0x98: {  	s19 =	sld [smem:$0x3FDB];
	_ =	sdelay $0x1  }
0x99: {  	s4 =	simm.s32 $_scs_section_size  }
0x9a: {  	s5 =	simm.s32 $_size__tile_overlayer_lowered;
	s6 =	simm.s32 $_tile_overlayer_lowered  }
0x9b: {  	s22 =	simm.s32 $0x1BFF;
	s21 =	sshll.u32 s6, $0x1;
	s3 =	sadd.s32 s4, s19  }
0x9c: {  	s7 =	simm.s32 $0x0;
	s20 =	sshll.u32 s5, $0x1;
	s5 =	sadd.s32 s21, s3  }
0x9d: {  	[timem:s7], [sflag:s22] =	dma.local [hbm:s5], s20  }
0x9e: {  	_ =	swait.ge [sflag:s22], s20  }
0x9f: {  	s4 =	ssub.s32 $0x0, s20;
	[sflag:s22] =	ssyncset.done $0x0  }
0xa0: {  	[sflag:s22] =	ssyncadd.s32 s4;
	_ =	sdelay $0x1  }
0xa1: {  	s23 =	simm.s32 $0x1B8B  }
0xa2: {  	_ =	swait.ge [sflag:s23], $0x1  }
0xa3: {  	[sflag:s23] =	ssyncset.done $0x0  }
0xa4: {  	s25 =	simm.s32 $0x1B8E;
	s24 =	sld [smem:$0x3FFE];
	[sflag:s23] =	ssyncadd.s32 $0xFFFFFFFF  }
0xa5: {  	s26 =	simm.s32 $execute0_lowered;
	[smem:$0x3FD2] =	sst s25  }
0xa6: {  	s5 =	sshll.u32 s26, $0x1;
	_ =	strace $0x80000046;
	[dreg:$0x1] =	wrdreg $0xFFFFFFFF  }
0xa7: {  	s28 =	simm.s32 $_size_execute0_lowered;
	s3 =	sadd.s32 s3, s5;
	[dreg:$0x0] =	wrdreg $0x0  }
0xa8: {  	s5 =	sshll.u32 s28, $0x1;
	[dreg:$0x2] =	wrdreg s3  }
0xa9: {  	[dreg:$0x3] =	wrdreg s5  }
0xaa: {  	[dreg:$0x4] =	wrdreg $0xC0  }
0xab: {  	_ =	task [dreg:s7], $0x5FFFF  }
0xac: {  	[dreg:$0x1] =	wrdreg $0xFFFFFFFF  }
0xad: {  	[dreg:$0x0] =	wrdreg $0x60  }
0xae: {  	[dreg:$0x2] =	wrdreg s2  }
0xaf: {  	[dreg:$0x3] =	wrdreg s24  }
0xb0: {  	[dreg:$0x4] =	wrdreg $0x9  }
0xb1: {  	_ =	task.clear_ibuf [dreg:s7], $0x5FFFF;
	_ =	strace $0x90000046  }
0xb2: {  	s29 =	simm.s32 $0x9;
	_ =	strace $0x80000048  }
0xb3: {  	_ =	swait.ge [sflag:s29], $0x1  }
0xb4: {  	[sflag:s29] =	ssyncadd.s32 $0xFFFFFFFF  }
0xb5: {  	_ =	strace $0x90000048  }
0xb6: {  	_ =	sfence  }
0xb7: {  	s30 =	sld [smem:$0x0];
	_ =	sdelay $0x2  }
0xb8: {  	s31 =	sshll.u32 s1, $0xD;
	s1 =	sshrl.u32 s1, $0x2  }
0xb9: {  	s3 =	sand.u32 $0x4000, s31;
	s1 =	sadd.s32 s1, s30  }
0xba: {  	s0 =	sor.u32 s3, s0;
	s1 =	sshll.u32 s1, $0x11  }
0xbb: {  	s0 =	sor.u32 s1, s0  }
0xbc: {  	s0 =	sadd.s32 $0x8F2B, s0  }
0xbd: {  	[sflag:s0] =	ssyncadd.remote.s32 $0x1  }
0xbe: {  	_ =	sfence.sel $0xFFFF  }
0xbf: {  	[dreg:$0x0] =	wrdreg $0xFFFFFFFF;
	(pc) =	sbr.abs _section_cstart, $3  }
0xc0: {  	[dreg:$0x1] =	wrdreg $0xFFFFFFFF  }
0xc1: {  	_ =	task.clear_ibuf [dreg:s7], $0x2FFFF;
	_ =	strace $0x9FFFFFFF  }
0xc2: {  	(tm) =	ssettm $0x7FFFFFFF  }
0xc3: {  	_ =	shalt  }
tec
execute0_lowered:
.L_overlay_start_1:
0x0: {  	(tag) =	ssettag $0x1  }
0x1: {  	s1 =	stileid.u32  }
0x2: {  	p0 =	sgt.u32 s1, $0xC  }
.Ltmp0:
0x3: {  	_ = 	snop;
	(pc) =	sbr.rel @p0 .LBB2_3-.Ltmp0, $4  }
0x4: {  	s2 =	rddreg [dreg:$0x0]  }
0x5: {  	s4 =	rddreg [dreg:$0x1];
	s3 =	simm.s32 $0x0  }
0x6: {  	[smem:$0x7FF] =	sst s3  }
0x7: {  	s0 =	rddreg [dreg:$0x2];
	_ =	strace $0x80000047  }
0x8: {  	s5 =	srdreg.scid;
	s6 =	sshll.u32 s1, $0x1;
	s8 =	sadd.s32 $0xE00, s4  }
0x9: {  	s12 =	simm.s32 $0x1080;
	s13 =	simm.s32 $0x1880;
	s14 =	simm.s32 $0x2080  }
0xa: {  	s15 =	simm.s32 $0x2880;
	s16 =	simm.s32 $0x3080;
	s17 =	simm.s32 $0x3880  }
0xb: {  	s18 =	simm.s32 $0x4080;
	s19 =	simm.s32 $0x4880;
	s5 =	sand.u32 $0x1, s5  }
0xc: {  	s20 =	simm.s32 $0x5080;
	s21 =	simm.s32 $0x5880;
	s6 =	sor.u32 s5, s6  }
0xd: {  	s22 =	simm.s32 $0x1;
	s9 =	ssub.s32 $0x2, s5;
	s7 =	smul.u32 $0xC00, s6  }
0xe: {  	s5 =	sadd.s32 $0x200, s2;
	s10 =	sshrl.u32 s9, $0x1;
	s11 =	sshll.u32 s6, $0x2  }
0xf: {  	v2 =	vlaneseq.u32;
	s9 =	ssub.s32 s9, s10;
	s10 =	simm.s32 $0x80;
	s7 =	sadd.s32 s7, s4  }
0x10: {  	vm0 =	vmmov $0xffff;
	v1 =	vshrl.u32 v2, $0x3;
	s4 =	sadd.s32 $0x100, s2;
	s6 =	sadd.s32 $0x1000, s7;
	s7 =	sadd.s32 s8, s11  }
0x11: {  	v0 =	vand.u32 $0x7, v2;
	v2 =	vor.u32 $0x8, v2;
	v1 =	vmul.u32 $0x8, v1;
	s8 =	smax.u32 s9, $0x1;
	s9 =	simm.s32 $0x2;
	s11 =	simm.s32 $0x880  }
.LBB2_2:
0x12: {  	[tilespmem:s3], [sflag:$0x2] =	stream.linear.gather [hbm4b:s7+s3], $0x20, $0x38;
	[tilespmem:$0x6080] =	vst v63  }
0x13: {  	_ =	swait.ge [sflag:s9], $0x20  }
0x14: {  	[sflag:s9] =	ssyncset.done $0x0  }
0x15: {  	[sflag:s9] =	ssyncadd.s32 $0xFFFFFFE0  }
0x16: {  	v3 =	vld [tilespmem:$0x0];
	_ =	sdelay $0x4  }
0x17: {  	v4 =	vshrl.u32 v3, $0x3  }
0x18: {  	v4 =	vmul.u32 $0x30, v4  }
0x19: {  	v3 =	vand.u32 $0x7, v3  }
0x1a: {  	v3 =	vor.u32 v3, v4  }
0x1b: {  	v4 =	vperm.xlane v3, v0;
	_ =	sdelay $0x1  }
0x1c: {  	v4 =	vadd.s32 v1, v4;
	_ =	sdelay $0x3  }
0x1d: {  	v3 =	vperm.xlane v3, v2  }
0x1e: {  	[tilespmem:s10], [sflag:$0x1] =	stream.indirect_vreg.gather [hbm4b:s2+s3], $0x80, v4, vm0, $0xb8;
	[tilespmem:$0x6080] =	vst v63  }
0x1f: {  	v3 =	vadd.s32 v1, v3  }
0x20: {  	[tilespmem:s11], [sflag:$0x1] =	stream.indirect_vreg.gather [hbm4b:s4+s3], $0x80, v4, vm0, $0xb8;
	[tilespmem:$0x6080] =	vst v63  }
0x21: {  	_ = 	snop  }
0x22: {  	[tilespmem:s12], [sflag:$0x1] =	stream.indirect_vreg.gather [hbm4b:s5+s3], $0x80, v4, vm0, $0xb8;
	[tilespmem:$0x6080] =	vst v63  }
0x23: {  	_ = 	snop  }
0x24: {  	[tilespmem:s13], [sflag:$0x1] =	stream.indirect_vreg.gather [hbm4b:s2+s3], $0x80, v3, vm0, $0xb8;
	[tilespmem:$0x6080] =	vst v63  }
0x25: {  	_ = 	snop  }
0x26: {  	[tilespmem:s14], [sflag:$0x1] =	stream.indirect_vreg.gather [hbm4b:s4+s3], $0x80, v3, vm0, $0xb8;
	[tilespmem:$0x6080] =	vst v63  }
0x27: {  	_ = 	snop  }
0x28: {  	[tilespmem:s15], [sflag:$0x1] =	stream.indirect_vreg.gather [hbm4b:s5+s3], $0x80, v3, vm0, $0xb8;
	[tilespmem:$0x6080] =	vst v63  }
0x29: {  	v3 =	vld [tilespmem:$0x10];
	_ =	sdelay $0x4  }
0x2a: {  	v63 =	vshrl.u32 v3, $0x3  }
0x2b: {  	v4 =	vmul.u32 $0x30, v63  }
0x2c: {  	v3 =	vand.u32 $0x7, v3  }
0x2d: {  	v3 =	vor.u32 v3, v4  }
0x2e: {  	v4 =	vperm.xlane v3, v0;
	_ =	sdelay $0x1  }
0x2f: {  	v4 =	vadd.s32 v1, v4;
	_ =	sdelay $0x3  }
0x30: {  	v3 =	vperm.xlane v3, v2  }
0x31: {  	[tilespmem:s16], [sflag:$0x1] =	stream.indirect_vreg.gather [hbm4b:s2+s3], $0x80, v4, vm0, $0xb8;
	[tilespmem:$0x6080] =	vst v63  }
0x32: {  	v3 =	vadd.s32 v1, v3  }
0x33: {  	[tilespmem:s17], [sflag:$0x1] =	stream.indirect_vreg.gather [hbm4b:s4+s3], $0x80, v4, vm0, $0xb8;
	[tilespmem:$0x6080] =	vst v63  }
0x34: {  	_ = 	snop  }
0x35: {  	[tilespmem:s18], [sflag:$0x1] =	stream.indirect_vreg.gather [hbm4b:s5+s3], $0x80, v4, vm0, $0xb8;
	[tilespmem:$0x6080] =	vst v63  }
0x36: {  	_ = 	snop  }
0x37: {  	[tilespmem:s19], [sflag:$0x1] =	stream.indirect_vreg.gather [hbm4b:s2+s3], $0x80, v3, vm0, $0xb8;
	[tilespmem:$0x6080] =	vst v63  }
0x38: {  	_ = 	snop  }
0x39: {  	[tilespmem:s20], [sflag:$0x1] =	stream.indirect_vreg.gather [hbm4b:s4+s3], $0x80, v3, vm0, $0xb8;
	[tilespmem:$0x6080] =	vst v63  }
0x3a: {  	_ = 	snop  }
0x3b: {  	[tilespmem:s21], [sflag:$0x1] =	stream.indirect_vreg.gather [hbm4b:s5+s3], $0x80, v3, vm0, $0xb8;
	[tilespmem:$0x6080] =	vst v63  }
0x3c: {  	_ =	swait.ge [sflag:s22], $0x6000  }
0x3d: {  	p0 =	sne.s32 s8, $0x1;
	[sflag:s22] =	ssyncset.done $0x0  }
.Ltmp1:
0x3e: {  	[sflag:s22] =	ssyncadd.s32 $0xFFFFA000;
	(pc) =	sbr.rel @p0 .LBB2_2-.Ltmp1, $4  }
0x3f: {  	[hbm4b:s6+s3] =	stream.linear.scatter [tilespmem:s10], [sflag:$0x2], $0x6000, $0x38;
	[tilespmem:$0x6080] =	vst v63  }
0x40: {  	_ =	swait.ge [sflag:s9], $0x6000  }
0x41: {  	[sflag:s9] =	ssyncset.done $0x0  }
0x42: {  	s8 =	sadd.s32 $0xFFFFFFFF, s8;
	[sflag:s9] =	ssyncadd.s32 $0xFFFFA000  }
.LBB2_3:
0x43: {  	_ =	sfence.sel $0x180000  }
0x44: {  	[bflag:$0x0] =	sbarrier.arrive $0xFFFF  }
0x45: {  	p0 =	sne.s32 s1, $0x0;
	_ =	strace $0x90000047  }
0x46: {  	s0 =	sadd.s32 @!p0 $0x100000, s0;
	[bflag:$0x2] =	sbarrier.arrive $0xFFFF  }
0x47: {  	[sflag:s0] =	ssyncadd.tile.s32 @!p0 $0x1;
	_ =	shalt  }
.Lfunc_end2:
_tile_overlayer_lowered:
.L_overlay_start_2:
0x48: {  	(tag) =	ssettag $0x2  }
0x49: {  	s0 =	rddreg [dreg:$0x0];
	s2 =	stileid.u32  }
0x4a: {  	s1 =	rddreg [dreg:$0x1];
	p0 =	sne.s32 s2, $0x0  }
0x4b: {  	s3 =	rddreg [dreg:$0x2];
	[bflag:$0x3] =	sbarrier.arrive $0xFFFF;
	s2 =	simm.s32 @!p0 $0x1C02  }
0x4c: {  	[timem:s3], [sflag:s2] =	dma.local @!p0 [hbm:s0], s1  }
0x4d: {  	s0 =	simm.s32 @!p0 $0x2  }
0x4e: {  	_ =	swait.ge @!p0 [sflag:s0], s1  }
0x4f: {  	s1 =	ssub.s32 @!p0 $0x0, s1;
	[sflag:s0] =	ssyncset.done @!p0 $0x0  }
0x50: {  	[sflag:s0] =	ssyncadd.s32 @!p0 s1  }
0x51: {  	[bflag:$0x3] =	sbarrier.arrive $0xFFFF  }
0x52: {  	_ =	shalt  }

</sc_bundles>
